<compile_context>
chip_gen: v7x
topology: tpu7x:2x2x1
jax: 0.10.2.dev20260603
libtpu: 0.0.44.dev20260713+nightly
codegen_flags: <defaults>
</compile_context>

<pallas_src>
import functools

import jax
import jax.numpy as jnp
from jax import lax
from jax.experimental import pallas as pl
from jax.experimental.pallas import tpu as pltpu
from jax.experimental.pallas import tpu_sc as plsc

L = 32768
D = 1024
N = 16
BL = 1024
EPS = 1e-6

NSUB = 16
C = L // NSUB
VPC = C // 16


NSPLIT = 8
DS = D // NSPLIT


def _tc_body(*refs):
    x_refs = refs[:NSPLIT]
    p_ref, carry_ref, nrm_ref = refs[NSPLIT], refs[NSPLIT + 1], refs[NSPLIT + 2]
    i = pl.program_id(0)
    sumsq = jnp.zeros((BL, 1), jnp.float32)
    dot = jnp.zeros((BL, 1), jnp.float32)
    for k in range(NSPLIT):
        q = x_refs[k][:, :]
        sumsq = sumsq + jnp.sum(q * q, axis=1, keepdims=True)
        prev = jnp.where(i == 0, q[0:1, :],
                         carry_ref[0:1, k * DS:(k + 1) * DS])
        shifted = jnp.concatenate([prev, q[:-1, :]], axis=0)
        dot = dot + jnp.sum(q * shifted, axis=1, keepdims=True)
        carry_ref[0:1, k * DS:(k + 1) * DS] = q[BL - 1:BL, :]
    norm = jnp.sqrt(sumsq) + EPS
    nprev0 = jnp.where(i == 0, norm[0:1, :], nrm_ref[0:1, :])
    nprev = jnp.concatenate([nprev0, norm[:-1, :]], axis=0)
    cos = dot / (nprev * norm)
    p_ref[:, :] = jnp.clip(0.5 * (1.0 - cos), 0.0, 1.0)
    nrm_ref[0:1, :] = norm[BL - 1:BL, :]


def _tc_raw_p(x):
    return pl.pallas_call(
        _tc_body,
        grid=(L // BL,),
        in_specs=[
            pl.BlockSpec((BL, DS), functools.partial(
                lambda k, i: (i, k), k))
            for k in range(NSPLIT)
        ],
        out_specs=pl.BlockSpec((BL, 1), lambda i: (i, 0)),
        out_shape=jax.ShapeDtypeStruct((L, 1), jnp.float32),
        scratch_shapes=[pltpu.VMEM((8, D), jnp.float32),
                        pltpu.VMEM((8, 1), jnp.float32)],
    )(*([x] * NSPLIT))


def _sc_body(p_hbm, lens_hbm, mask_hbm, rp_hbm, sel_hbm, cu_hbm,
             p_v, lens_v, mask_v, rp_v, sel_v, cu_v, cnt_smem):
    wid = lax.axis_index("s")
    base = wid * C

    pltpu.sync_copy(p_hbm.at[pl.ds(base, C)], p_v)
    pltpu.sync_copy(lens_hbm, lens_v)

    lane = lax.broadcasted_iota(jnp.int32, (16,), 0)

    lv = lens_v[...]
    bpos = lax.cumsum(lv, axis=0) - lv
    inb = jnp.logical_and(bpos >= base, bpos < base + C)
    li = jnp.clip(bpos - base, 0, C - 1)
    plsc.store_scatter(p_v, [li], jnp.ones((16,), jnp.float32), mask=inb)

    @pl.when(wid == 0)
    def _():
        cnt_smem[0] = 0
    plsc.subcore_barrier()

    def body(j, cnt):
        pv = p_v[pl.ds(j * 16, 16)]
        q = 1.0 - pv
        m = pv > 0.5
        mask_v[pl.ds(j * 16, 16)] = m.astype(jnp.int32)
        sel_v[pl.ds(j * 16, 16)] = jnp.maximum(pv, q)
        idx2 = (j * 16 + lane) * 2
        plsc.store_scatter(rp_v, [idx2], q)
        plsc.store_scatter(rp_v, [idx2 + 1], pv)
        return cnt + m.astype(jnp.int32)

    cnt = lax.fori_loop(0, VPC, body,
                        jnp.zeros((16,), jnp.int32), unroll=4)
    local = lax.reduce_sum(cnt, axes=(0,))

    plsc.fetch_and_add(cnt_smem, local, subcore_id=0)
    plsc.subcore_barrier()

    pltpu.sync_copy(mask_v, mask_hbm.at[pl.ds(base, C)])
    pltpu.sync_copy(sel_v, sel_hbm.at[pl.ds(base, C)])
    pltpu.sync_copy(rp_v, rp_hbm.at[pl.ds(2 * base, 2 * C)])

    @pl.when(wid == 0)
    def _():
        total = jnp.broadcast_to(cnt_smem[0], (16,))
        cu_v[...] = jnp.where(lane == 1, total, 0)
        pltpu.sync_copy(cu_v, cu_hbm)


@functools.cache
def _get_sc_post():
    return functools.partial(
        pl.kernel,
        mesh=plsc.VectorSubcoreMesh(core_axis_name="c", subcore_axis_name="s",
                                    num_cores=1),
        compiler_params=pltpu.CompilerParams(needs_layout_passes=False),
        out_type=[
            jax.ShapeDtypeStruct((L,), jnp.int32),
            jax.ShapeDtypeStruct((2 * L,), jnp.float32),
            jax.ShapeDtypeStruct((L,), jnp.float32),
            jax.ShapeDtypeStruct((16,), jnp.int32),
        ],
        scratch_types=[
            pltpu.VMEM((C,), jnp.float32),
            pltpu.VMEM((16,), jnp.int32),
            pltpu.VMEM((C,), jnp.int32),
            pltpu.VMEM((2 * C,), jnp.float32),
            pltpu.VMEM((C,), jnp.float32),
            pltpu.VMEM((16,), jnp.int32),
            pltpu.SMEM((1,), jnp.int32),
        ],
    )(_sc_body)


@jax.jit
def kernel(hidden_states, x_pack_kwargs):
    x = hidden_states.reshape(L, D)
    p = _tc_raw_p(x).reshape(L)
    lens = x_pack_kwargs.reshape(N)
    mask_i, rp, sel, cu16 = _get_sc_post()(p, lens)
    token_mask = mask_i.astype(jnp.bool_).reshape(1, L)
    router_probs = rp.reshape(1, L, 2)
    selected_probs = sel.reshape(1, L, 1)
    return (token_mask, router_probs, selected_probs, cu16[:2])

# --- scband reference (transcript-rebuilt; emitter-appended) ---
"""Pipeline reference for scband-router-34694745817517 (READ-ONLY COPY).

The authoritative reference and input builder live on the scoring server;
editing this copy changes nothing except your own understanding.
"""

import jax, jax.numpy as jnp
import numpy as np

L = 32768
D = 1024
N = 16

def setup_inputs(seed: int = 0) -> dict:
    key = jax.random.key(seed)
    k1, k2 = jax.random.split(key, 2)
    hidden_states = jax.random.normal(k1, (1, L, D), dtype=jnp.float32)
    x_pack_kwargs = jax.random.randint(k2, (1, N), 0, 2048).astype(jnp.int32)
    return {"hidden_states": hidden_states, "x_pack_kwargs": x_pack_kwargs}

def _prob_boundary(h, eps=1e-6):
    # Cosine-similarity routing strategy (H-Net style, no projections):
    # p_t = clip(0.5 * (1 - cos(h_{t-1}, h_t)), 0, 1), p_0 = 1
    hn = h / (jnp.linalg.norm(h, axis=-1, keepdims=True) + eps)
    cos = jnp.sum(hn[:, :-1, :] * hn[:, 1:, :], axis=-1)
    p = jnp.clip(0.5 * (1.0 - cos), 0.0, 1.0)
    p = jnp.concatenate([jnp.ones((h.shape[0], 1), dtype=h.dtype), p], axis=1)
    return p

def reference(hidden_states, x_pack_kwargs):
    B, Lcur, Dcur = hidden_states.shape
    lens = x_pack_kwargs[0].astype(jnp.int32)
    lens_cs = jnp.concatenate([jnp.zeros((1,), dtype=jnp.int32), jnp.cumsum(lens)])
    prob_boundary = _prob_boundary(hidden_states)
    # state is None path: sequence-start positions are forced boundaries
    prob_boundary = prob_boundary.at[0, lens_cs[:-1]].set(1.0)
    router_probs = jnp.stack([1.0 - prob_boundary, prob_boundary], axis=-1)
    token_mask = prob_boundary > 0.5
    selected_probs = jnp.max(router_probs, axis=-1)[..., None]
    counts = jnp.sum(token_mask.astype(jnp.int32), axis=-1)
    cu_seqlens = jnp.concatenate([jnp.zeros((1,), dtype=jnp.int32), jnp.cumsum(counts)])
    return (token_mask, router_probs, selected_probs, cu_seqlens)

if __name__ == "__main__":
    import jax
    _d = setup_inputs()
    print(jax.jit(kernel)(*tuple(_d.values())))

</pallas_src>

<mosaic_0001>
#map = affine_map<(d0, d1) -> (0)>
module attributes {stable_mosaic.version = 14 : i64} {
  func.func @_sc_body(%arg0: i32, %arg1: i32, %arg2: memref<32768xf32, #tpu.memory_space<hbm>>, %arg3: memref<16xi32, #tpu.memory_space<hbm>>, %arg4: memref<32768xi32, #tpu.memory_space<hbm>>, %arg5: memref<65536xf32, #tpu.memory_space<hbm>>, %arg6: memref<32768xf32, #tpu.memory_space<hbm>>, %arg7: memref<16xi32, #tpu.memory_space<hbm>>, %arg8: memref<2048xf32, #tpu.memory_space<vmem>>, %arg9: memref<16xi32, #tpu.memory_space<vmem>>, %arg10: memref<2048xi32, #tpu.memory_space<vmem>>, %arg11: memref<4096xf32, #tpu.memory_space<vmem>>, %arg12: memref<2048xf32, #tpu.memory_space<vmem>>, %arg13: memref<16xi32, #tpu.memory_space<vmem>>, %arg14: memref<1xi32, #tpu.memory_space<smem>>) attributes {dimension_semantics = [#tpu.dimension_semantics<core_parallel>, #tpu.dimension_semantics<subcore_parallel>], iteration_bounds = array<i64: 1, 16>, scalar_prefetch = 0 : i64, scratch_operands = 7 : i64, tpu.core_type = #tpu.core_type<sc_vector_subcore>, window_params = [{transform_indices = #map}, {transform_indices = #map}, {transform_indices = #map}, {transform_indices = #map}, {transform_indices = #map}, {transform_indices = #map}]} {
    %mul3A = arith.constant 2048 : i32
    %mul3A_0 = arith.muli %arg1, %mul3A : i32
    "tpu.region"() ({
      %run_scoped3A = tpu.sem_alloc : memref<!tpu.dma_semaphore, #tpu.memory_space<semaphore_mem>>
      %dma_start3A = tpu.memref_slice %arg2[%mul3A_0] : memref<32768xf32, #tpu.memory_space<hbm>> -> memref<2048xf32, #tpu.memory_space<hbm>>
      %dma_start3A_35 = tpu.memref_slice %arg2[%mul3A_0] : memref<32768xf32, #tpu.memory_space<hbm>> -> memref<2048xf32, #tpu.memory_space<hbm>>
      tpu.enqueue_dma source(%dma_start3A_35 : memref<2048xf32, #tpu.memory_space<hbm>>) target(%arg8 : memref<2048xf32, #tpu.memory_space<vmem>>) target_semaphore(%run_scoped3A : memref<!tpu.dma_semaphore, #tpu.memory_space<semaphore_mem>>)
      %dma_wait3A = tpu.memref_slice %arg2[%mul3A_0] : memref<32768xf32, #tpu.memory_space<hbm>> -> memref<2048xf32, #tpu.memory_space<hbm>>
      %dma_wait3A_36 = tpu.memref_slice %arg2[%mul3A_0] : memref<32768xf32, #tpu.memory_space<hbm>> -> memref<2048xf32, #tpu.memory_space<hbm>>
      tpu.wait_dma2 semaphore(%run_scoped3A : memref<!tpu.dma_semaphore, #tpu.memory_space<semaphore_mem>>) src(%dma_wait3A_36 : memref<2048xf32, #tpu.memory_space<hbm>>) dst(%arg8 : memref<2048xf32, #tpu.memory_space<vmem>>)
      tpu.yield
    }) : () -> ()
    "tpu.region"() ({
      %run_scoped3A = tpu.sem_alloc : memref<!tpu.dma_semaphore, #tpu.memory_space<semaphore_mem>>
      tpu.enqueue_dma source(%arg3 : memref<16xi32, #tpu.memory_space<hbm>>) target(%arg9 : memref<16xi32, #tpu.memory_space<vmem>>) target_semaphore(%run_scoped3A : memref<!tpu.dma_semaphore, #tpu.memory_space<semaphore_mem>>)
      tpu.wait_dma2 semaphore(%run_scoped3A : memref<!tpu.dma_semaphore, #tpu.memory_space<semaphore_mem>>) src(%arg3 : memref<16xi32, #tpu.memory_space<hbm>>) dst(%arg9 : memref<16xi32, #tpu.memory_space<vmem>>)
      tpu.yield
    }) : () -> ()
    %iota3A = tpu.iota {dimensions = array<i32: 0>} : vector<16xi32>
    %get3A = arith.constant 0 : index
    %get3A_1 = tpu.vector_load %arg9[%get3A] {strides = array<i32>} : memref<16xi32, #tpu.memory_space<vmem>>, vector<16xi32>,
    %cumsum3A = arith.constant true
    %cumsum3A_2 = vector.broadcast %cumsum3A : i1 to vector<16xi1>
    %cumsum3A_3 = tpu.scan <sum>, %get3A_1 masked %cumsum3A_2 : vector<16xi32>, vector<16xi1> -> vector<16xi32>
    %sub3A = arith.subi %cumsum3A_3, %get3A_1 : vector<16xi32>
    %ge3A = vector.broadcast %mul3A_0 : i32 to vector<16xi32>
    %ge3A_4 = arith.cmpi sge, %sub3A, %ge3A : vector<16xi32>
    %add3A = arith.constant 2048 : i32
    %add3A_5 = arith.addi %mul3A_0, %add3A : i32
    %lt3A = vector.broadcast %add3A_5 : i32 to vector<16xi32>
    %lt3A_6 = arith.cmpi slt, %sub3A, %lt3A : vector<16xi32>
    %and3A = arith.andi %ge3A_4, %lt3A_6 : vector<16xi1>
    %sub3A_7 = vector.broadcast %mul3A_0 : i32 to vector<16xi32>
    %sub3A_8 = arith.subi %sub3A, %sub3A_7 : vector<16xi32>
    %jit3A = arith.constant 0 : i32
    %jit3A_9 = arith.constant 2047 : i32
    %max3A = vector.broadcast %jit3A : i32 to vector<16xi32>
    %max3A_10 = arith.maxsi %max3A, %sub3A_8 : vector<16xi32>
    %min3A = vector.broadcast %jit3A_9 : i32 to vector<16xi32>
    %min3A_11 = arith.minsi %min3A, %max3A_10 : vector<16xi32>
    %broadcast_in_dim3A = arith.constant 1.000000e+00 : f32
    %broadcast_in_dim3A_12 = vector.broadcast %broadcast_in_dim3A : f32 to vector<16xf32>
    tpu.vector_store_idx %arg8[%min3A_11], %broadcast_in_dim3A_12 masked %and3A : memref<2048xf32, #tpu.memory_space<vmem>>[vector<16xi32>], vector<16xf32>, vector<16xi1>
    %eq3A = arith.constant 0 : i32
    %eq3A_13 = arith.cmpi eq, %arg1, %eq3A : i32
    %convert_element_type3A = arith.extui %eq3A_13 : i1 to i32
    %cond3A = arith.constant 0 : i32
    %cond3A_14 = arith.cmpi ne, %convert_element_type3A, %cond3A : i32
    scf.if %cond3A_14 {
      %swap3A = arith.constant 0 : i32
      %swap3A_35 = arith.constant 0 : i32
      %swap3A_36 = arith.index_cast %swap3A_35 : i32 to index
      %swap3A_37 = memref.load %arg14[%swap3A_36] : memref<1xi32, #tpu.memory_space<smem>>
      memref.store %swap3A, %arg14[%swap3A_36] : memref<1xi32, #tpu.memory_space<smem>>
    } else {
    }
    %barrier3A = arith.constant 0 : index
    tpu.barrier barrier_id(%barrier3A)
    %broadcast_in_dim3A_15 = arith.constant 0 : i32
    %broadcast_in_dim3A_16 = vector.broadcast %broadcast_in_dim3A_15 : i32 to vector<16xi32>
    %scan3A = arith.constant 0 : i32
    %scan3A_17 = arith.constant 128 : i32
    %scan3A_18 = arith.addi %scan3A, %scan3A_17 : i32
    %scan3A_19 = arith.constant 4 : i32
    %scan3A_20 = scf.for %scan3A_35 = %scan3A to %scan3A_18 step %scan3A_19 iter_args(%scan3A_36 = %broadcast_in_dim3A_16) -> (vector<16xi32>)  : i32 {
      %mul3A_37 = arith.constant 16 : i32
      %mul3A_38 = arith.muli %scan3A_35, %mul3A_37 : i32
      %get3A_39 = arith.index_cast %mul3A_38 : i32 to index
      %get3A_40 = tpu.vector_load %arg8[%get3A_39] {strides = array<i32>} : memref<2048xf32, #tpu.memory_space<vmem>>, vector<16xf32>,
      %sub3A_41 = arith.constant 1.000000e+00 : f32
      %sub3A_42 = vector.broadcast %sub3A_41 : f32 to vector<16xf32>
      %sub3A_43 = arith.subf %sub3A_42, %get3A_40 : vector<16xf32>
      %gt3A = arith.constant 5.000000e-01 : f32
      %gt3A_44 = vector.broadcast %gt3A : f32 to vector<16xf32>
      %gt3A_45 = arith.cmpf ogt, %get3A_40, %gt3A_44 : vector<16xf32>
      %convert_element_type3A_46 = arith.extui %gt3A_45 : vector<16xi1> to vector<16xi32>
      %mul3A_47 = arith.constant 16 : i32
      %mul3A_48 = arith.muli %scan3A_35, %mul3A_47 : i32
      %swap3A = arith.index_cast %mul3A_48 : i32 to index
      %swap3A_49 = tpu.vector_load %arg10[%swap3A] {strides = array<i32>} : memref<2048xi32, #tpu.memory_space<vmem>>, vector<16xi32>,
      tpu.vector_store %arg10[%swap3A], %convert_element_type3A_46 {strides = array<i32>} : memref<2048xi32, #tpu.memory_space<vmem>>, vector<16xi32>,
      %max3A_50 = arith.maximumf %get3A_40, %sub3A_43 : vector<16xf32>
      %mul3A_51 = arith.constant 16 : i32
      %mul3A_52 = arith.muli %scan3A_35, %mul3A_51 : i32
      %swap3A_53 = arith.index_cast %mul3A_52 : i32 to index
      %swap3A_54 = tpu.vector_load %arg12[%swap3A_53] {strides = array<i32>} : memref<2048xf32, #tpu.memory_space<vmem>>, vector<16xf32>,
      tpu.vector_store %arg12[%swap3A_53], %max3A_50 {strides = array<i32>} : memref<2048xf32, #tpu.memory_space<vmem>>, vector<16xf32>,
      %mul3A_55 = arith.constant 16 : i32
      %mul3A_56 = arith.muli %scan3A_35, %mul3A_55 : i32
      %add3A_57 = vector.broadcast %mul3A_56 : i32 to vector<16xi32>
      %add3A_58 = arith.addi %add3A_57, %iota3A : vector<16xi32>
      %mul3A_59 = arith.constant 2 : i32
      %mul3A_60 = vector.broadcast %mul3A_59 : i32 to vector<16xi32>
      %mul3A_61 = arith.muli %add3A_58, %mul3A_60 : vector<16xi32>
      tpu.vector_store_idx %arg11[%mul3A_61], %sub3A_43 : memref<4096xf32, #tpu.memory_space<vmem>>[vector<16xi32>], vector<16xf32>,
      %add3A_62 = arith.constant 1 : i32
      %add3A_63 = vector.broadcast %add3A_62 : i32 to vector<16xi32>
      %add3A_64 = arith.addi %mul3A_61, %add3A_63 : vector<16xi32>
      tpu.vector_store_idx %arg11[%add3A_64], %get3A_40 : memref<4096xf32, #tpu.memory_space<vmem>>[vector<16xi32>], vector<16xf32>,
      %convert_element_type3A_65 = arith.extui %gt3A_45 : vector<16xi1> to vector<16xi32>
      %add3A_66 = arith.addi %scan3A_36, %convert_element_type3A_65 : vector<16xi32>
      %scan3A_67 = arith.constant 1 : i32
      %scan3A_68 = arith.addi %scan3A_35, %scan3A_67 : i32
      %mul3A_69 = arith.constant 16 : i32
      %mul3A_70 = arith.muli %scan3A_68, %mul3A_69 : i32
      %get3A_71 = arith.index_cast %mul3A_70 : i32 to index
      %get3A_72 = tpu.vector_load %arg8[%get3A_71] {strides = array<i32>} : memref<2048xf32, #tpu.memory_space<vmem>>, vector<16xf32>,
      %sub3A_73 = arith.constant 1.000000e+00 : f32
      %sub3A_74 = vector.broadcast %sub3A_73 : f32 to vector<16xf32>
      %sub3A_75 = arith.subf %sub3A_74, %get3A_72 : vector<16xf32>
      %gt3A_76 = arith.constant 5.000000e-01 : f32
      %gt3A_77 = vector.broadcast %gt3A_76 : f32 to vector<16xf32>
      %gt3A_78 = arith.cmpf ogt, %get3A_72, %gt3A_77 : vector<16xf32>
      %convert_element_type3A_79 = arith.extui %gt3A_78 : vector<16xi1> to vector<16xi32>
      %mul3A_80 = arith.constant 16 : i32
      %mul3A_81 = arith.muli %scan3A_68, %mul3A_80 : i32
      %swap3A_82 = arith.index_cast %mul3A_81 : i32 to index
      %swap3A_83 = tpu.vector_load %arg10[%swap3A_82] {strides = array<i32>} : memref<2048xi32, #tpu.memory_space<vmem>>, vector<16xi32>,
      tpu.vector_store %arg10[%swap3A_82], %convert_element_type3A_79 {strides = array<i32>} : memref<2048xi32, #tpu.memory_space<vmem>>, vector<16xi32>,
      %max3A_84 = arith.maximumf %get3A_72, %sub3A_75 : vector<16xf32>
      %mul3A_85 = arith.constant 16 : i32
      %mul3A_86 = arith.muli %scan3A_68, %mul3A_85 : i32
      %swap3A_87 = arith.index_cast %mul3A_86 : i32 to index
      %swap3A_88 = tpu.vector_load %arg12[%swap3A_87] {strides = array<i32>} : memref<2048xf32, #tpu.memory_space<vmem>>, vector<16xf32>,
      tpu.vector_store %arg12[%swap3A_87], %max3A_84 {strides = array<i32>} : memref<2048xf32, #tpu.memory_space<vmem>>, vector<16xf32>,
      %mul3A_89 = arith.constant 16 : i32
      %mul3A_90 = arith.muli %scan3A_68, %mul3A_89 : i32
      %add3A_91 = vector.broadcast %mul3A_90 : i32 to vector<16xi32>
      %add3A_92 = arith.addi %add3A_91, %iota3A : vector<16xi32>
      %mul3A_93 = arith.constant 2 : i32
      %mul3A_94 = vector.broadcast %mul3A_93 : i32 to vector<16xi32>
      %mul3A_95 = arith.muli %add3A_92, %mul3A_94 : vector<16xi32>
      tpu.vector_store_idx %arg11[%mul3A_95], %sub3A_75 : memref<4096xf32, #tpu.memory_space<vmem>>[vector<16xi32>], vector<16xf32>,
      %add3A_96 = arith.constant 1 : i32
      %add3A_97 = vector.broadcast %add3A_96 : i32 to vector<16xi32>
      %add3A_98 = arith.addi %mul3A_95, %add3A_97 : vector<16xi32>
      tpu.vector_store_idx %arg11[%add3A_98], %get3A_72 : memref<4096xf32, #tpu.memory_space<vmem>>[vector<16xi32>], vector<16xf32>,
      %convert_element_type3A_99 = arith.extui %gt3A_78 : vector<16xi1> to vector<16xi32>
      %add3A_100 = arith.addi %add3A_66, %convert_element_type3A_99 : vector<16xi32>
      %scan3A_101 = arith.constant 2 : i32
      %scan3A_102 = arith.addi %scan3A_35, %scan3A_101 : i32
      %mul3A_103 = arith.constant 16 : i32
      %mul3A_104 = arith.muli %scan3A_102, %mul3A_103 : i32
      %get3A_105 = arith.index_cast %mul3A_104 : i32 to index
      %get3A_106 = tpu.vector_load %arg8[%get3A_105] {strides = array<i32>} : memref<2048xf32, #tpu.memory_space<vmem>>, vector<16xf32>,
      %sub3A_107 = arith.constant 1.000000e+00 : f32
      %sub3A_108 = vector.broadcast %sub3A_107 : f32 to vector<16xf32>
      %sub3A_109 = arith.subf %sub3A_108, %get3A_106 : vector<16xf32>
      %gt3A_110 = arith.constant 5.000000e-01 : f32
      %gt3A_111 = vector.broadcast %gt3A_110 : f32 to vector<16xf32>
      %gt3A_112 = arith.cmpf ogt, %get3A_106, %gt3A_111 : vector<16xf32>
      %convert_element_type3A_113 = arith.extui %gt3A_112 : vector<16xi1> to vector<16xi32>
      %mul3A_114 = arith.constant 16 : i32
      %mul3A_115 = arith.muli %scan3A_102, %mul3A_114 : i32
      %swap3A_116 = arith.index_cast %mul3A_115 : i32 to index
      %swap3A_117 = tpu.vector_load %arg10[%swap3A_116] {strides = array<i32>} : memref<2048xi32, #tpu.memory_space<vmem>>, vector<16xi32>,
      tpu.vector_store %arg10[%swap3A_116], %convert_element_type3A_113 {strides = array<i32>} : memref<2048xi32, #tpu.memory_space<vmem>>, vector<16xi32>,
      %max3A_118 = arith.maximumf %get3A_106, %sub3A_109 : vector<16xf32>
      %mul3A_119 = arith.constant 16 : i32
      %mul3A_120 = arith.muli %scan3A_102, %mul3A_119 : i32
      %swap3A_121 = arith.index_cast %mul3A_120 : i32 to index
      %swap3A_122 = tpu.vector_load %arg12[%swap3A_121] {strides = array<i32>} : memref<2048xf32, #tpu.memory_space<vmem>>, vector<16xf32>,
      tpu.vector_store %arg12[%swap3A_121], %max3A_118 {strides = array<i32>} : memref<2048xf32, #tpu.memory_space<vmem>>, vector<16xf32>,
      %mul3A_123 = arith.constant 16 : i32
      %mul3A_124 = arith.muli %scan3A_102, %mul3A_123 : i32
      %add3A_125 = vector.broadcast %mul3A_124 : i32 to vector<16xi32>
      %add3A_126 = arith.addi %add3A_125, %iota3A : vector<16xi32>
      %mul3A_127 = arith.constant 2 : i32
      %mul3A_128 = vector.broadcast %mul3A_127 : i32 to vector<16xi32>
      %mul3A_129 = arith.muli %add3A_126, %mul3A_128 : vector<16xi32>
      tpu.vector_store_idx %arg11[%mul3A_129], %sub3A_109 : memref<4096xf32, #tpu.memory_space<vmem>>[vector<16xi32>], vector<16xf32>,
      %add3A_130 = arith.constant 1 : i32
      %add3A_131 = vector.broadcast %add3A_130 : i32 to vector<16xi32>
      %add3A_132 = arith.addi %mul3A_129, %add3A_131 : vector<16xi32>
      tpu.vector_store_idx %arg11[%add3A_132], %get3A_106 : memref<4096xf32, #tpu.memory_space<vmem>>[vector<16xi32>], vector<16xf32>,
      %convert_element_type3A_133 = arith.extui %gt3A_112 : vector<16xi1> to vector<16xi32>
      %add3A_134 = arith.addi %add3A_100, %convert_element_type3A_133 : vector<16xi32>
      %scan3A_135 = arith.constant 3 : i32
      %scan3A_136 = arith.addi %scan3A_35, %scan3A_135 : i32
      %mul3A_137 = arith.constant 16 : i32
      %mul3A_138 = arith.muli %scan3A_136, %mul3A_137 : i32
      %get3A_139 = arith.index_cast %mul3A_138 : i32 to index
      %get3A_140 = tpu.vector_load %arg8[%get3A_139] {strides = array<i32>} : memref<2048xf32, #tpu.memory_space<vmem>>, vector<16xf32>,
      %sub3A_141 = arith.constant 1.000000e+00 : f32
      %sub3A_142 = vector.broadcast %sub3A_141 : f32 to vector<16xf32>
      %sub3A_143 = arith.subf %sub3A_142, %get3A_140 : vector<16xf32>
      %gt3A_144 = arith.constant 5.000000e-01 : f32
      %gt3A_145 = vector.broadcast %gt3A_144 : f32 to vector<16xf32>
      %gt3A_146 = arith.cmpf ogt, %get3A_140, %gt3A_145 : vector<16xf32>
      %convert_element_type3A_147 = arith.extui %gt3A_146 : vector<16xi1> to vector<16xi32>
      %mul3A_148 = arith.constant 16 : i32
      %mul3A_149 = arith.muli %scan3A_136, %mul3A_148 : i32
      %swap3A_150 = arith.index_cast %mul3A_149 : i32 to index
      %swap3A_151 = tpu.vector_load %arg10[%swap3A_150] {strides = array<i32>} : memref<2048xi32, #tpu.memory_space<vmem>>, vector<16xi32>,
      tpu.vector_store %arg10[%swap3A_150], %convert_element_type3A_147 {strides = array<i32>} : memref<2048xi32, #tpu.memory_space<vmem>>, vector<16xi32>,
      %max3A_152 = arith.maximumf %get3A_140, %sub3A_143 : vector<16xf32>
      %mul3A_153 = arith.constant 16 : i32
      %mul3A_154 = arith.muli %scan3A_136, %mul3A_153 : i32
      %swap3A_155 = arith.index_cast %mul3A_154 : i32 to index
      %swap3A_156 = tpu.vector_load %arg12[%swap3A_155] {strides = array<i32>} : memref<2048xf32, #tpu.memory_space<vmem>>, vector<16xf32>,
      tpu.vector_store %arg12[%swap3A_155], %max3A_152 {strides = array<i32>} : memref<2048xf32, #tpu.memory_space<vmem>>, vector<16xf32>,
      %mul3A_157 = arith.constant 16 : i32
      %mul3A_158 = arith.muli %scan3A_136, %mul3A_157 : i32
      %add3A_159 = vector.broadcast %mul3A_158 : i32 to vector<16xi32>
      %add3A_160 = arith.addi %add3A_159, %iota3A : vector<16xi32>
      %mul3A_161 = arith.constant 2 : i32
      %mul3A_162 = vector.broadcast %mul3A_161 : i32 to vector<16xi32>
      %mul3A_163 = arith.muli %add3A_160, %mul3A_162 : vector<16xi32>
      tpu.vector_store_idx %arg11[%mul3A_163], %sub3A_143 : memref<4096xf32, #tpu.memory_space<vmem>>[vector<16xi32>], vector<16xf32>,
      %add3A_164 = arith.constant 1 : i32
      %add3A_165 = vector.broadcast %add3A_164 : i32 to vector<16xi32>
      %add3A_166 = arith.addi %mul3A_163, %add3A_165 : vector<16xi32>
      tpu.vector_store_idx %arg11[%add3A_166], %get3A_140 : memref<4096xf32, #tpu.memory_space<vmem>>[vector<16xi32>], vector<16xf32>,
      %convert_element_type3A_167 = arith.extui %gt3A_146 : vector<16xi1> to vector<16xi32>
      %add3A_168 = arith.addi %add3A_134, %convert_element_type3A_167 : vector<16xi32>
      scf.yield %add3A_168 : vector<16xi32>
    }
    %scan3A_21 = arith.constant 128 : i32
    %reduce_sum3A = arith.constant true
    %reduce_sum3A_22 = vector.broadcast %reduce_sum3A : i1 to vector<16xi1>
    %reduce_sum3A_23 = tpu.scan <sum>, %scan3A_20 masked %reduce_sum3A_22 : vector<16xi32>, vector<16xi1> -> vector<16xi32>
    %reduce_sum3A_24 = vector.extract %reduce_sum3A_23[15] : i32 from vector<16xi32>
    %sc_fetch_and_add3A = arith.constant 0 : i32
    %sc_fetch_and_add3A_25 = arith.constant 0 : i32
    %sc_fetch_and_add3A_26 = tpu.fetch_and_add_sync %arg14[%sc_fetch_and_add3A], %reduce_sum3A_24, %sc_fetch_and_add3A_25 : memref<1xi32, #tpu.memory_space<smem>>, i32 -> i32
    %barrier3A_27 = arith.constant 0 : index
    tpu.barrier barrier_id(%barrier3A_27)
    "tpu.region"() ({
      %run_scoped3A = tpu.sem_alloc : memref<!tpu.dma_semaphore, #tpu.memory_space<semaphore_mem>>
      %dma_start3A = tpu.memref_slice %arg4[%mul3A_0] : memref<32768xi32, #tpu.memory_space<hbm>> -> memref<2048xi32, #tpu.memory_space<hbm>>
      %dma_start3A_35 = tpu.memref_slice %arg4[%mul3A_0] : memref<32768xi32, #tpu.memory_space<hbm>> -> memref<2048xi32, #tpu.memory_space<hbm>>
      tpu.enqueue_dma source(%arg10 : memref<2048xi32, #tpu.memory_space<vmem>>) target(%dma_start3A_35 : memref<2048xi32, #tpu.memory_space<hbm>>) target_semaphore(%run_scoped3A : memref<!tpu.dma_semaphore, #tpu.memory_space<semaphore_mem>>)
      %dma_wait3A = tpu.memref_slice %arg4[%mul3A_0] : memref<32768xi32, #tpu.memory_space<hbm>> -> memref<2048xi32, #tpu.memory_space<hbm>>
      %dma_wait3A_36 = tpu.memref_slice %arg4[%mul3A_0] : memref<32768xi32, #tpu.memory_space<hbm>> -> memref<2048xi32, #tpu.memory_space<hbm>>
      tpu.wait_dma2 semaphore(%run_scoped3A : memref<!tpu.dma_semaphore, #tpu.memory_space<semaphore_mem>>) src(%arg10 : memref<2048xi32, #tpu.memory_space<vmem>>) dst(%dma_wait3A_36 : memref<2048xi32, #tpu.memory_space<hbm>>)
      tpu.yield
    }) : () -> ()
    "tpu.region"() ({
      %run_scoped3A = tpu.sem_alloc : memref<!tpu.dma_semaphore, #tpu.memory_space<semaphore_mem>>
      %dma_start3A = tpu.memref_slice %arg6[%mul3A_0] : memref<32768xf32, #tpu.memory_space<hbm>> -> memref<2048xf32, #tpu.memory_space<hbm>>
      %dma_start3A_35 = tpu.memref_slice %arg6[%mul3A_0] : memref<32768xf32, #tpu.memory_space<hbm>> -> memref<2048xf32, #tpu.memory_space<hbm>>
      tpu.enqueue_dma source(%arg12 : memref<2048xf32, #tpu.memory_space<vmem>>) target(%dma_start3A_35 : memref<2048xf32, #tpu.memory_space<hbm>>) target_semaphore(%run_scoped3A : memref<!tpu.dma_semaphore, #tpu.memory_space<semaphore_mem>>)
      %dma_wait3A = tpu.memref_slice %arg6[%mul3A_0] : memref<32768xf32, #tpu.memory_space<hbm>> -> memref<2048xf32, #tpu.memory_space<hbm>>
      %dma_wait3A_36 = tpu.memref_slice %arg6[%mul3A_0] : memref<32768xf32, #tpu.memory_space<hbm>> -> memref<2048xf32, #tpu.memory_space<hbm>>
      tpu.wait_dma2 semaphore(%run_scoped3A : memref<!tpu.dma_semaphore, #tpu.memory_space<semaphore_mem>>) src(%arg12 : memref<2048xf32, #tpu.memory_space<vmem>>) dst(%dma_wait3A_36 : memref<2048xf32, #tpu.memory_space<hbm>>)
      tpu.yield
    }) : () -> ()
    %mul3A_28 = arith.constant 2 : i32
    %mul3A_29 = arith.muli %mul3A_28, %mul3A_0 : i32
    "tpu.region"() ({
      %run_scoped3A = tpu.sem_alloc : memref<!tpu.dma_semaphore, #tpu.memory_space<semaphore_mem>>
      %dma_start3A = tpu.memref_slice %arg5[%mul3A_29] : memref<65536xf32, #tpu.memory_space<hbm>> -> memref<4096xf32, #tpu.memory_space<hbm>>
      %dma_start3A_35 = tpu.memref_slice %arg5[%mul3A_29] : memref<65536xf32, #tpu.memory_space<hbm>> -> memref<4096xf32, #tpu.memory_space<hbm>>
      tpu.enqueue_dma source(%arg11 : memref<4096xf32, #tpu.memory_space<vmem>>) target(%dma_start3A_35 : memref<4096xf32, #tpu.memory_space<hbm>>) target_semaphore(%run_scoped3A : memref<!tpu.dma_semaphore, #tpu.memory_space<semaphore_mem>>)
      %dma_wait3A = tpu.memref_slice %arg5[%mul3A_29] : memref<65536xf32, #tpu.memory_space<hbm>> -> memref<4096xf32, #tpu.memory_space<hbm>>
      %dma_wait3A_36 = tpu.memref_slice %arg5[%mul3A_29] : memref<65536xf32, #tpu.memory_space<hbm>> -> memref<4096xf32, #tpu.memory_space<hbm>>
      tpu.wait_dma2 semaphore(%run_scoped3A : memref<!tpu.dma_semaphore, #tpu.memory_space<semaphore_mem>>) src(%arg11 : memref<4096xf32, #tpu.memory_space<vmem>>) dst(%dma_wait3A_36 : memref<4096xf32, #tpu.memory_space<hbm>>)
      tpu.yield
    }) : () -> ()
    %eq3A_30 = arith.constant 0 : i32
    %eq3A_31 = arith.cmpi eq, %arg1, %eq3A_30 : i32
    %convert_element_type3A_32 = arith.extui %eq3A_31 : i1 to i32
    %cond3A_33 = arith.constant 0 : i32
    %cond3A_34 = arith.cmpi ne, %convert_element_type3A_32, %cond3A_33 : i32
    scf.if %cond3A_34 {
      %get3A_35 = arith.constant 0 : i32
      %get3A_36 = arith.index_cast %get3A_35 : i32 to index
      %get3A_37 = memref.load %arg14[%get3A_36] : memref<1xi32, #tpu.memory_space<smem>>
      %broadcast_in_dim3A_38 = vector.broadcast %get3A_37 : i32 to vector<16xi32>
      %eq3A_39 = arith.constant 1 : i32
      %eq3A_40 = vector.broadcast %eq3A_39 : i32 to vector<16xi32>
      %eq3A_41 = arith.cmpi eq, %iota3A, %eq3A_40 : vector<16xi32>
      %jit3A_42 = arith.constant 0 : i32
      %broadcast_in_dim3A_43 = vector.broadcast %jit3A_42 : i32 to vector<16xi32>
      %select_n3A = arith.select %eq3A_41, %broadcast_in_dim3A_38, %broadcast_in_dim3A_43 : vector<16xi1>, vector<16xi32>
      %swap3A = arith.constant 0 : index
      %swap3A_44 = tpu.vector_load %arg13[%swap3A] {strides = array<i32>} : memref<16xi32, #tpu.memory_space<vmem>>, vector<16xi32>,
      tpu.vector_store %arg13[%swap3A], %select_n3A {strides = array<i32>} : memref<16xi32, #tpu.memory_space<vmem>>, vector<16xi32>,
      "tpu.region"() ({
        %run_scoped3A = tpu.sem_alloc : memref<!tpu.dma_semaphore, #tpu.memory_space<semaphore_mem>>
        tpu.enqueue_dma source(%arg13 : memref<16xi32, #tpu.memory_space<vmem>>) target(%arg7 : memref<16xi32, #tpu.memory_space<hbm>>) target_semaphore(%run_scoped3A : memref<!tpu.dma_semaphore, #tpu.memory_space<semaphore_mem>>)
        tpu.wait_dma2 semaphore(%run_scoped3A : memref<!tpu.dma_semaphore, #tpu.memory_space<semaphore_mem>>) src(%arg13 : memref<16xi32, #tpu.memory_space<vmem>>) dst(%arg7 : memref<16xi32, #tpu.memory_space<hbm>>)
        tpu.yield
      }) : () -> ()
    } else {
    }
    return
  }
}

module attributes {stable_mosaic.version = 14 : i64} {
  func.func @_tc_body(%arg0: i32, %arg1: memref<1024x128xf32, #tpu.memory_space<vmem>>, %arg2: memref<1024x128xf32, #tpu.memory_space<vmem>>, %arg3: memref<1024x128xf32, #tpu.memory_space<vmem>>, %arg4: memref<1024x128xf32, #tpu.memory_space<vmem>>, %arg5: memref<1024x128xf32, #tpu.memory_space<vmem>>, %arg6: memref<1024x128xf32, #tpu.memory_space<vmem>>, %arg7: memref<1024x128xf32, #tpu.memory_space<vmem>>, %arg8: memref<1024x128xf32, #tpu.memory_space<vmem>>, %arg9: memref<1024x1xf32, #tpu.memory_space<vmem>>, %arg10: memref<8x1024xf32, #tpu.memory_space<vmem>>, %arg11: memref<8x1xf32, #tpu.memory_space<vmem>>) attributes {dimension_semantics = [#tpu.dimension_semantics<arbitrary>], iteration_bounds = array<i64: 32>, scalar_prefetch = 0 : i64, scratch_operands = 2 : i64, tpu.core_type = #tpu.core_type<tc>, window_params = [{transform_indices = @transform_0, window_bounds = array<i64: 1024, 128>}, {transform_indices = @transform_1, window_bounds = array<i64: 1024, 128>}, {transform_indices = @transform_2, window_bounds = array<i64: 1024, 128>}, {transform_indices = @transform_3, window_bounds = array<i64: 1024, 128>}, {transform_indices = @transform_4, window_bounds = array<i64: 1024, 128>}, {transform_indices = @transform_5, window_bounds = array<i64: 1024, 128>}, {transform_indices = @transform_6, window_bounds = array<i64: 1024, 128>}, {transform_indices = @transform_7, window_bounds = array<i64: 1024, 128>}, {transform_indices = @transform_8, window_bounds = array<i64: 1024, 1>}]} {
    %broadcast_in_dim3A = arith.constant 0.000000e+00 : f32
    %broadcast_in_dim3A_0 = vector.broadcast %broadcast_in_dim3A : f32 to vector<1024x1xf32>
    %broadcast_in_dim3A_1 = arith.constant 0.000000e+00 : f32
    %broadcast_in_dim3A_2 = vector.broadcast %broadcast_in_dim3A_1 : f32 to vector<1024x1xf32>
    %get3A = arith.constant 0 : index
    %get3A_3 = arith.constant 0 : index
    %get3A_4 = vector.load %arg1[%get3A, %get3A_3] : memref<1024x128xf32, #tpu.memory_space<vmem>>, vector<1024x128xf32>
    %mul3A = arith.mulf %get3A_4, %get3A_4 : vector<1024x128xf32>
    %reduce_sum3A = arith.constant dense<0.000000e+00> : vector<1024xf32>
    %reduce_sum3A_5 = vector.multi_reduction <add>, %mul3A, %reduce_sum3A [1] : vector<1024x128xf32> to vector<1024xf32>
    %broadcast_in_dim3A_6 = vector.shape_cast %reduce_sum3A_5 : vector<1024xf32> to vector<1024x1xf32>
    %add3A = arith.addf %broadcast_in_dim3A_0, %broadcast_in_dim3A_6 : vector<1024x1xf32>
    %eq3A = arith.constant 0 : i32
    %eq3A_7 = arith.cmpi eq, %arg0, %eq3A : i32
    %slice3A = vector.extract_strided_slice %get3A_4 {offsets = [0, 0], sizes = [1, 128], strides = [1, 1]} : vector<1024x128xf32> to vector<1x128xf32>
    %get3A_8 = arith.constant 0 : index
    %get3A_9 = arith.constant 0 : index
    %get3A_10 = vector.load %arg10[%get3A_8, %get3A_9] : memref<8x1024xf32, #tpu.memory_space<vmem>>, vector<1x128xf32>
    %select_n3A = arith.select %eq3A_7, %slice3A, %get3A_10 : vector<1x128xf32>
    %slice3A_11 = vector.extract_strided_slice %get3A_4 {offsets = [0, 0], sizes = [1023, 128], strides = [1, 1]} : vector<1024x128xf32> to vector<1023x128xf32>
    %concatenate3A = tpu.concatenate %select_n3A, %slice3A_11 in 0 : vector<1x128xf32>, vector<1023x128xf32> -> vector<1024x128xf32>
    %mul3A_12 = arith.mulf %get3A_4, %concatenate3A : vector<1024x128xf32>
    %reduce_sum3A_13 = arith.constant dense<0.000000e+00> : vector<1024xf32>
    %reduce_sum3A_14 = vector.multi_reduction <add>, %mul3A_12, %reduce_sum3A_13 [1] : vector<1024x128xf32> to vector<1024xf32>
    %broadcast_in_dim3A_15 = vector.shape_cast %reduce_sum3A_14 : vector<1024xf32> to vector<1024x1xf32>
    %add3A_16 = arith.addf %broadcast_in_dim3A_2, %broadcast_in_dim3A_15 : vector<1024x1xf32>
    %slice3A_17 = vector.extract_strided_slice %get3A_4 {offsets = [1023, 0], sizes = [1, 128], strides = [1, 1]} : vector<1024x128xf32> to vector<1x128xf32>
    %swap3A = arith.constant 0 : index
    %swap3A_18 = arith.constant 0 : index
    %swap3A_19 = vector.load %arg10[%swap3A, %swap3A_18] : memref<8x1024xf32, #tpu.memory_space<vmem>>, vector<1x128xf32>
    tpu.vector_store %arg10[%swap3A, %swap3A_18], %slice3A_17 {strides = array<i32>} : memref<8x1024xf32, #tpu.memory_space<vmem>>, vector<1x128xf32>,
    %get3A_20 = arith.constant 0 : index
    %get3A_21 = arith.constant 0 : index
    %get3A_22 = vector.load %arg2[%get3A_20, %get3A_21] : memref<1024x128xf32, #tpu.memory_space<vmem>>, vector<1024x128xf32>
    %mul3A_23 = arith.mulf %get3A_22, %get3A_22 : vector<1024x128xf32>
    %reduce_sum3A_24 = arith.constant dense<0.000000e+00> : vector<1024xf32>
    %reduce_sum3A_25 = vector.multi_reduction <add>, %mul3A_23, %reduce_sum3A_24 [1] : vector<1024x128xf32> to vector<1024xf32>
    %broadcast_in_dim3A_26 = vector.shape_cast %reduce_sum3A_25 : vector<1024xf32> to vector<1024x1xf32>
    %add3A_27 = arith.addf %add3A, %broadcast_in_dim3A_26 : vector<1024x1xf32>
    %eq3A_28 = arith.constant 0 : i32
    %eq3A_29 = arith.cmpi eq, %arg0, %eq3A_28 : i32
    %slice3A_30 = vector.extract_strided_slice %get3A_22 {offsets = [0, 0], sizes = [1, 128], strides = [1, 1]} : vector<1024x128xf32> to vector<1x128xf32>
    %get3A_31 = arith.constant 0 : index
    %get3A_32 = arith.constant 128 : index
    %get3A_33 = vector.load %arg10[%get3A_31, %get3A_32] : memref<8x1024xf32, #tpu.memory_space<vmem>>, vector<1x128xf32>
    %select_n3A_34 = arith.select %eq3A_29, %slice3A_30, %get3A_33 : vector<1x128xf32>
    %slice3A_35 = vector.extract_strided_slice %get3A_22 {offsets = [0, 0], sizes = [1023, 128], strides = [1, 1]} : vector<1024x128xf32> to vector<1023x128xf32>
    %concatenate3A_36 = tpu.concatenate %select_n3A_34, %slice3A_35 in 0 : vector<1x128xf32>, vector<1023x128xf32> -> vector<1024x128xf32>
    %mul3A_37 = arith.mulf %get3A_22, %concatenate3A_36 : vector<1024x128xf32>
    %reduce_sum3A_38 = arith.constant dense<0.000000e+00> : vector<1024xf32>
    %reduce_sum3A_39 = vector.multi_reduction <add>, %mul3A_37, %reduce_sum3A_38 [1] : vector<1024x128xf32> to vector<1024xf32>
    %broadcast_in_dim3A_40 = vector.shape_cast %reduce_sum3A_39 : vector<1024xf32> to vector<1024x1xf32>
    %add3A_41 = arith.addf %add3A_16, %broadcast_in_dim3A_40 : vector<1024x1xf32>
    %slice3A_42 = vector.extract_strided_slice %get3A_22 {offsets = [1023, 0], sizes = [1, 128], strides = [1, 1]} : vector<1024x128xf32> to vector<1x128xf32>
    %swap3A_43 = arith.constant 0 : index
    %swap3A_44 = arith.constant 128 : index
    %swap3A_45 = vector.load %arg10[%swap3A_43, %swap3A_44] : memref<8x1024xf32, #tpu.memory_space<vmem>>, vector<1x128xf32>
    tpu.vector_store %arg10[%swap3A_43, %swap3A_44], %slice3A_42 {strides = array<i32>} : memref<8x1024xf32, #tpu.memory_space<vmem>>, vector<1x128xf32>,
    %get3A_46 = arith.constant 0 : index
    %get3A_47 = arith.constant 0 : index
    %get3A_48 = vector.load %arg3[%get3A_46, %get3A_47] : memref<1024x128xf32, #tpu.memory_space<vmem>>, vector<1024x128xf32>
    %mul3A_49 = arith.mulf %get3A_48, %get3A_48 : vector<1024x128xf32>
    %reduce_sum3A_50 = arith.constant dense<0.000000e+00> : vector<1024xf32>
    %reduce_sum3A_51 = vector.multi_reduction <add>, %mul3A_49, %reduce_sum3A_50 [1] : vector<1024x128xf32> to vector<1024xf32>
    %broadcast_in_dim3A_52 = vector.shape_cast %reduce_sum3A_51 : vector<1024xf32> to vector<1024x1xf32>
    %add3A_53 = arith.addf %add3A_27, %broadcast_in_dim3A_52 : vector<1024x1xf32>
    %eq3A_54 = arith.constant 0 : i32
    %eq3A_55 = arith.cmpi eq, %arg0, %eq3A_54 : i32
    %slice3A_56 = vector.extract_strided_slice %get3A_48 {offsets = [0, 0], sizes = [1, 128], strides = [1, 1]} : vector<1024x128xf32> to vector<1x128xf32>
    %get3A_57 = arith.constant 0 : index
    %get3A_58 = arith.constant 256 : index
    %get3A_59 = vector.load %arg10[%get3A_57, %get3A_58] : memref<8x1024xf32, #tpu.memory_space<vmem>>, vector<1x128xf32>
    %select_n3A_60 = arith.select %eq3A_55, %slice3A_56, %get3A_59 : vector<1x128xf32>
    %slice3A_61 = vector.extract_strided_slice %get3A_48 {offsets = [0, 0], sizes = [1023, 128], strides = [1, 1]} : vector<1024x128xf32> to vector<1023x128xf32>
    %concatenate3A_62 = tpu.concatenate %select_n3A_60, %slice3A_61 in 0 : vector<1x128xf32>, vector<1023x128xf32> -> vector<1024x128xf32>
    %mul3A_63 = arith.mulf %get3A_48, %concatenate3A_62 : vector<1024x128xf32>
    %reduce_sum3A_64 = arith.constant dense<0.000000e+00> : vector<1024xf32>
    %reduce_sum3A_65 = vector.multi_reduction <add>, %mul3A_63, %reduce_sum3A_64 [1] : vector<1024x128xf32> to vector<1024xf32>
    %broadcast_in_dim3A_66 = vector.shape_cast %reduce_sum3A_65 : vector<1024xf32> to vector<1024x1xf32>
    %add3A_67 = arith.addf %add3A_41, %broadcast_in_dim3A_66 : vector<1024x1xf32>
    %slice3A_68 = vector.extract_strided_slice %get3A_48 {offsets = [1023, 0], sizes = [1, 128], strides = [1, 1]} : vector<1024x128xf32> to vector<1x128xf32>
    %swap3A_69 = arith.constant 0 : index
    %swap3A_70 = arith.constant 256 : index
    %swap3A_71 = vector.load %arg10[%swap3A_69, %swap3A_70] : memref<8x1024xf32, #tpu.memory_space<vmem>>, vector<1x128xf32>
    tpu.vector_store %arg10[%swap3A_69, %swap3A_70], %slice3A_68 {strides = array<i32>} : memref<8x1024xf32, #tpu.memory_space<vmem>>, vector<1x128xf32>,
    %get3A_72 = arith.constant 0 : index
    %get3A_73 = arith.constant 0 : index
    %get3A_74 = vector.load %arg4[%get3A_72, %get3A_73] : memref<1024x128xf32, #tpu.memory_space<vmem>>, vector<1024x128xf32>
    %mul3A_75 = arith.mulf %get3A_74, %get3A_74 : vector<1024x128xf32>
    %reduce_sum3A_76 = arith.constant dense<0.000000e+00> : vector<1024xf32>
    %reduce_sum3A_77 = vector.multi_reduction <add>, %mul3A_75, %reduce_sum3A_76 [1] : vector<1024x128xf32> to vector<1024xf32>
    %broadcast_in_dim3A_78 = vector.shape_cast %reduce_sum3A_77 : vector<1024xf32> to vector<1024x1xf32>
    %add3A_79 = arith.addf %add3A_53, %broadcast_in_dim3A_78 : vector<1024x1xf32>
    %eq3A_80 = arith.constant 0 : i32
    %eq3A_81 = arith.cmpi eq, %arg0, %eq3A_80 : i32
    %slice3A_82 = vector.extract_strided_slice %get3A_74 {offsets = [0, 0], sizes = [1, 128], strides = [1, 1]} : vector<1024x128xf32> to vector<1x128xf32>
    %get3A_83 = arith.constant 0 : index
    %get3A_84 = arith.constant 384 : index
    %get3A_85 = vector.load %arg10[%get3A_83, %get3A_84] : memref<8x1024xf32, #tpu.memory_space<vmem>>, vector<1x128xf32>
    %select_n3A_86 = arith.select %eq3A_81, %slice3A_82, %get3A_85 : vector<1x128xf32>
    %slice3A_87 = vector.extract_strided_slice %get3A_74 {offsets = [0, 0], sizes = [1023, 128], strides = [1, 1]} : vector<1024x128xf32> to vector<1023x128xf32>
    %concatenate3A_88 = tpu.concatenate %select_n3A_86, %slice3A_87 in 0 : vector<1x128xf32>, vector<1023x128xf32> -> vector<1024x128xf32>
    %mul3A_89 = arith.mulf %get3A_74, %concatenate3A_88 : vector<1024x128xf32>
    %reduce_sum3A_90 = arith.constant dense<0.000000e+00> : vector<1024xf32>
    %reduce_sum3A_91 = vector.multi_reduction <add>, %mul3A_89, %reduce_sum3A_90 [1] : vector<1024x128xf32> to vector<1024xf32>
    %broadcast_in_dim3A_92 = vector.shape_cast %reduce_sum3A_91 : vector<1024xf32> to vector<1024x1xf32>
    %add3A_93 = arith.addf %add3A_67, %broadcast_in_dim3A_92 : vector<1024x1xf32>
    %slice3A_94 = vector.extract_strided_slice %get3A_74 {offsets = [1023, 0], sizes = [1, 128], strides = [1, 1]} : vector<1024x128xf32> to vector<1x128xf32>
    %swap3A_95 = arith.constant 0 : index
    %swap3A_96 = arith.constant 384 : index
    %swap3A_97 = vector.load %arg10[%swap3A_95, %swap3A_96] : memref<8x1024xf32, #tpu.memory_space<vmem>>, vector<1x128xf32>
    tpu.vector_store %arg10[%swap3A_95, %swap3A_96], %slice3A_94 {strides = array<i32>} : memref<8x1024xf32, #tpu.memory_space<vmem>>, vector<1x128xf32>,
    %get3A_98 = arith.constant 0 : index
    %get3A_99 = arith.constant 0 : index
    %get3A_100 = vector.load %arg5[%get3A_98, %get3A_99] : memref<1024x128xf32, #tpu.memory_space<vmem>>, vector<1024x128xf32>
    %mul3A_101 = arith.mulf %get3A_100, %get3A_100 : vector<1024x128xf32>
    %reduce_sum3A_102 = arith.constant dense<0.000000e+00> : vector<1024xf32>
    %reduce_sum3A_103 = vector.multi_reduction <add>, %mul3A_101, %reduce_sum3A_102 [1] : vector<1024x128xf32> to vector<1024xf32>
    %broadcast_in_dim3A_104 = vector.shape_cast %reduce_sum3A_103 : vector<1024xf32> to vector<1024x1xf32>
    %add3A_105 = arith.addf %add3A_79, %broadcast_in_dim3A_104 : vector<1024x1xf32>
    %eq3A_106 = arith.constant 0 : i32
    %eq3A_107 = arith.cmpi eq, %arg0, %eq3A_106 : i32
    %slice3A_108 = vector.extract_strided_slice %get3A_100 {offsets = [0, 0], sizes = [1, 128], strides = [1, 1]} : vector<1024x128xf32> to vector<1x128xf32>
    %get3A_109 = arith.constant 0 : index
    %get3A_110 = arith.constant 512 : index
    %get3A_111 = vector.load %arg10[%get3A_109, %get3A_110] : memref<8x1024xf32, #tpu.memory_space<vmem>>, vector<1x128xf32>
    %select_n3A_112 = arith.select %eq3A_107, %slice3A_108, %get3A_111 : vector<1x128xf32>
    %slice3A_113 = vector.extract_strided_slice %get3A_100 {offsets = [0, 0], sizes = [1023, 128], strides = [1, 1]} : vector<1024x128xf32> to vector<1023x128xf32>
    %concatenate3A_114 = tpu.concatenate %select_n3A_112, %slice3A_113 in 0 : vector<1x128xf32>, vector<1023x128xf32> -> vector<1024x128xf32>
    %mul3A_115 = arith.mulf %get3A_100, %concatenate3A_114 : vector<1024x128xf32>
    %reduce_sum3A_116 = arith.constant dense<0.000000e+00> : vector<1024xf32>
    %reduce_sum3A_117 = vector.multi_reduction <add>, %mul3A_115, %reduce_sum3A_116 [1] : vector<1024x128xf32> to vector<1024xf32>
    %broadcast_in_dim3A_118 = vector.shape_cast %reduce_sum3A_117 : vector<1024xf32> to vector<1024x1xf32>
    %add3A_119 = arith.addf %add3A_93, %broadcast_in_dim3A_118 : vector<1024x1xf32>
    %slice3A_120 = vector.extract_strided_slice %get3A_100 {offsets = [1023, 0], sizes = [1, 128], strides = [1, 1]} : vector<1024x128xf32> to vector<1x128xf32>
    %swap3A_121 = arith.constant 0 : index
    %swap3A_122 = arith.constant 512 : index
    %swap3A_123 = vector.load %arg10[%swap3A_121, %swap3A_122] : memref<8x1024xf32, #tpu.memory_space<vmem>>, vector<1x128xf32>
    tpu.vector_store %arg10[%swap3A_121, %swap3A_122], %slice3A_120 {strides = array<i32>} : memref<8x1024xf32, #tpu.memory_space<vmem>>, vector<1x128xf32>,
    %get3A_124 = arith.constant 0 : index
    %get3A_125 = arith.constant 0 : index
    %get3A_126 = vector.load %arg6[%get3A_124, %get3A_125] : memref<1024x128xf32, #tpu.memory_space<vmem>>, vector<1024x128xf32>
    %mul3A_127 = arith.mulf %get3A_126, %get3A_126 : vector<1024x128xf32>
    %reduce_sum3A_128 = arith.constant dense<0.000000e+00> : vector<1024xf32>
    %reduce_sum3A_129 = vector.multi_reduction <add>, %mul3A_127, %reduce_sum3A_128 [1] : vector<1024x128xf32> to vector<1024xf32>
    %broadcast_in_dim3A_130 = vector.shape_cast %reduce_sum3A_129 : vector<1024xf32> to vector<1024x1xf32>
    %add3A_131 = arith.addf %add3A_105, %broadcast_in_dim3A_130 : vector<1024x1xf32>
    %eq3A_132 = arith.constant 0 : i32
    %eq3A_133 = arith.cmpi eq, %arg0, %eq3A_132 : i32
    %slice3A_134 = vector.extract_strided_slice %get3A_126 {offsets = [0, 0], sizes = [1, 128], strides = [1, 1]} : vector<1024x128xf32> to vector<1x128xf32>
    %get3A_135 = arith.constant 0 : index
    %get3A_136 = arith.constant 640 : index
    %get3A_137 = vector.load %arg10[%get3A_135, %get3A_136] : memref<8x1024xf32, #tpu.memory_space<vmem>>, vector<1x128xf32>
    %select_n3A_138 = arith.select %eq3A_133, %slice3A_134, %get3A_137 : vector<1x128xf32>
    %slice3A_139 = vector.extract_strided_slice %get3A_126 {offsets = [0, 0], sizes = [1023, 128], strides = [1, 1]} : vector<1024x128xf32> to vector<1023x128xf32>
    %concatenate3A_140 = tpu.concatenate %select_n3A_138, %slice3A_139 in 0 : vector<1x128xf32>, vector<1023x128xf32> -> vector<1024x128xf32>
    %mul3A_141 = arith.mulf %get3A_126, %concatenate3A_140 : vector<1024x128xf32>
    %reduce_sum3A_142 = arith.constant dense<0.000000e+00> : vector<1024xf32>
    %reduce_sum3A_143 = vector.multi_reduction <add>, %mul3A_141, %reduce_sum3A_142 [1] : vector<1024x128xf32> to vector<1024xf32>
    %broadcast_in_dim3A_144 = vector.shape_cast %reduce_sum3A_143 : vector<1024xf32> to vector<1024x1xf32>
    %add3A_145 = arith.addf %add3A_119, %broadcast_in_dim3A_144 : vector<1024x1xf32>
    %slice3A_146 = vector.extract_strided_slice %get3A_126 {offsets = [1023, 0], sizes = [1, 128], strides = [1, 1]} : vector<1024x128xf32> to vector<1x128xf32>
    %swap3A_147 = arith.constant 0 : index
    %swap3A_148 = arith.constant 640 : index
    %swap3A_149 = vector.load %arg10[%swap3A_147, %swap3A_148] : memref<8x1024xf32, #tpu.memory_space<vmem>>, vector<1x128xf32>
    tpu.vector_store %arg10[%swap3A_147, %swap3A_148], %slice3A_146 {strides = array<i32>} : memref<8x1024xf32, #tpu.memory_space<vmem>>, vector<1x128xf32>,
    %get3A_150 = arith.constant 0 : index
    %get3A_151 = arith.constant 0 : index
    %get3A_152 = vector.load %arg7[%get3A_150, %get3A_151] : memref<1024x128xf32, #tpu.memory_space<vmem>>, vector<1024x128xf32>
    %mul3A_153 = arith.mulf %get3A_152, %get3A_152 : vector<1024x128xf32>
    %reduce_sum3A_154 = arith.constant dense<0.000000e+00> : vector<1024xf32>
    %reduce_sum3A_155 = vector.multi_reduction <add>, %mul3A_153, %reduce_sum3A_154 [1] : vector<1024x128xf32> to vector<1024xf32>
    %broadcast_in_dim3A_156 = vector.shape_cast %reduce_sum3A_155 : vector<1024xf32> to vector<1024x1xf32>
    %add3A_157 = arith.addf %add3A_131, %broadcast_in_dim3A_156 : vector<1024x1xf32>
    %eq3A_158 = arith.constant 0 : i32
    %eq3A_159 = arith.cmpi eq, %arg0, %eq3A_158 : i32
    %slice3A_160 = vector.extract_strided_slice %get3A_152 {offsets = [0, 0], sizes = [1, 128], strides = [1, 1]} : vector<1024x128xf32> to vector<1x128xf32>
    %get3A_161 = arith.constant 0 : index
    %get3A_162 = arith.constant 768 : index
    %get3A_163 = vector.load %arg10[%get3A_161, %get3A_162] : memref<8x1024xf32, #tpu.memory_space<vmem>>, vector<1x128xf32>
    %select_n3A_164 = arith.select %eq3A_159, %slice3A_160, %get3A_163 : vector<1x128xf32>
    %slice3A_165 = vector.extract_strided_slice %get3A_152 {offsets = [0, 0], sizes = [1023, 128], strides = [1, 1]} : vector<1024x128xf32> to vector<1023x128xf32>
    %concatenate3A_166 = tpu.concatenate %select_n3A_164, %slice3A_165 in 0 : vector<1x128xf32>, vector<1023x128xf32> -> vector<1024x128xf32>
    %mul3A_167 = arith.mulf %get3A_152, %concatenate3A_166 : vector<1024x128xf32>
    %reduce_sum3A_168 = arith.constant dense<0.000000e+00> : vector<1024xf32>
    %reduce_sum3A_169 = vector.multi_reduction <add>, %mul3A_167, %reduce_sum3A_168 [1] : vector<1024x128xf32> to vector<1024xf32>
    %broadcast_in_dim3A_170 = vector.shape_cast %reduce_sum3A_169 : vector<1024xf32> to vector<1024x1xf32>
    %add3A_171 = arith.addf %add3A_145, %broadcast_in_dim3A_170 : vector<1024x1xf32>
    %slice3A_172 = vector.extract_strided_slice %get3A_152 {offsets = [1023, 0], sizes = [1, 128], strides = [1, 1]} : vector<1024x128xf32> to vector<1x128xf32>
    %swap3A_173 = arith.constant 0 : index
    %swap3A_174 = arith.constant 768 : index
    %swap3A_175 = vector.load %arg10[%swap3A_173, %swap3A_174] : memref<8x1024xf32, #tpu.memory_space<vmem>>, vector<1x128xf32>
    tpu.vector_store %arg10[%swap3A_173, %swap3A_174], %slice3A_172 {strides = array<i32>} : memref<8x1024xf32, #tpu.memory_space<vmem>>, vector<1x128xf32>,
    %get3A_176 = arith.constant 0 : index
    %get3A_177 = arith.constant 0 : index
    %get3A_178 = vector.load %arg8[%get3A_176, %get3A_177] : memref<1024x128xf32, #tpu.memory_space<vmem>>, vector<1024x128xf32>
    %mul3A_179 = arith.mulf %get3A_178, %get3A_178 : vector<1024x128xf32>
    %reduce_sum3A_180 = arith.constant dense<0.000000e+00> : vector<1024xf32>
    %reduce_sum3A_181 = vector.multi_reduction <add>, %mul3A_179, %reduce_sum3A_180 [1] : vector<1024x128xf32> to vector<1024xf32>
    %broadcast_in_dim3A_182 = vector.shape_cast %reduce_sum3A_181 : vector<1024xf32> to vector<1024x1xf32>
    %add3A_183 = arith.addf %add3A_157, %broadcast_in_dim3A_182 : vector<1024x1xf32>
    %eq3A_184 = arith.constant 0 : i32
    %eq3A_185 = arith.cmpi eq, %arg0, %eq3A_184 : i32
    %slice3A_186 = vector.extract_strided_slice %get3A_178 {offsets = [0, 0], sizes = [1, 128], strides = [1, 1]} : vector<1024x128xf32> to vector<1x128xf32>
    %get3A_187 = arith.constant 0 : index
    %get3A_188 = arith.constant 896 : index
    %get3A_189 = vector.load %arg10[%get3A_187, %get3A_188] : memref<8x1024xf32, #tpu.memory_space<vmem>>, vector<1x128xf32>
    %select_n3A_190 = arith.select %eq3A_185, %slice3A_186, %get3A_189 : vector<1x128xf32>
    %slice3A_191 = vector.extract_strided_slice %get3A_178 {offsets = [0, 0], sizes = [1023, 128], strides = [1, 1]} : vector<1024x128xf32> to vector<1023x128xf32>
    %concatenate3A_192 = tpu.concatenate %select_n3A_190, %slice3A_191 in 0 : vector<1x128xf32>, vector<1023x128xf32> -> vector<1024x128xf32>
    %mul3A_193 = arith.mulf %get3A_178, %concatenate3A_192 : vector<1024x128xf32>
    %reduce_sum3A_194 = arith.constant dense<0.000000e+00> : vector<1024xf32>
    %reduce_sum3A_195 = vector.multi_reduction <add>, %mul3A_193, %reduce_sum3A_194 [1] : vector<1024x128xf32> to vector<1024xf32>
    %broadcast_in_dim3A_196 = vector.shape_cast %reduce_sum3A_195 : vector<1024xf32> to vector<1024x1xf32>
    %add3A_197 = arith.addf %add3A_171, %broadcast_in_dim3A_196 : vector<1024x1xf32>
    %slice3A_198 = vector.extract_strided_slice %get3A_178 {offsets = [1023, 0], sizes = [1, 128], strides = [1, 1]} : vector<1024x128xf32> to vector<1x128xf32>
    %swap3A_199 = arith.constant 0 : index
    %swap3A_200 = arith.constant 896 : index
    %swap3A_201 = vector.load %arg10[%swap3A_199, %swap3A_200] : memref<8x1024xf32, #tpu.memory_space<vmem>>, vector<1x128xf32>
    tpu.vector_store %arg10[%swap3A_199, %swap3A_200], %slice3A_198 {strides = array<i32>} : memref<8x1024xf32, #tpu.memory_space<vmem>>, vector<1x128xf32>,
    %sqrt3A = math.sqrt %add3A_183 : vector<1024x1xf32>
    %add3A_202 = arith.constant 9.99999997E-7 : f32
    %add3A_203 = vector.broadcast %add3A_202 : f32 to vector<1024x1xf32>
    %add3A_204 = arith.addf %sqrt3A, %add3A_203 : vector<1024x1xf32>
    %eq3A_205 = arith.constant 0 : i32
    %eq3A_206 = arith.cmpi eq, %arg0, %eq3A_205 : i32
    %slice3A_207 = vector.extract_strided_slice %add3A_204 {offsets = [0, 0], sizes = [1, 1], strides = [1, 1]} : vector<1024x1xf32> to vector<1x1xf32>
    %get3A_208 = arith.constant 0 : index
    %get3A_209 = arith.constant 0 : index
    %get3A_210 = vector.load %arg11[%get3A_208, %get3A_209] : memref<8x1xf32, #tpu.memory_space<vmem>>, vector<1x1xf32>
    %select_n3A_211 = arith.select %eq3A_206, %slice3A_207, %get3A_210 : vector<1x1xf32>
    %slice3A_212 = vector.extract_strided_slice %add3A_204 {offsets = [0, 0], sizes = [1023, 1], strides = [1, 1]} : vector<1024x1xf32> to vector<1023x1xf32>
    %concatenate3A_213 = tpu.concatenate %select_n3A_211, %slice3A_212 in 0 : vector<1x1xf32>, vector<1023x1xf32> -> vector<1024x1xf32>
    %mul3A_214 = arith.mulf %concatenate3A_213, %add3A_204 : vector<1024x1xf32>
    %div3A = arith.divf %add3A_197, %mul3A_214 : vector<1024x1xf32>
    %sub3A = arith.constant 1.000000e+00 : f32
    %sub3A_215 = vector.broadcast %sub3A : f32 to vector<1024x1xf32>
    %sub3A_216 = arith.subf %sub3A_215, %div3A : vector<1024x1xf32>
    %mul3A_217 = arith.constant 5.000000e-01 : f32
    %mul3A_218 = vector.broadcast %mul3A_217 : f32 to vector<1024x1xf32>
    %mul3A_219 = arith.mulf %mul3A_218, %sub3A_216 : vector<1024x1xf32>
    %jit3A = arith.constant 0.000000e+00 : f32
    %jit3A_220 = arith.constant 1.000000e+00 : f32
    %max3A = vector.broadcast %jit3A : f32 to vector<1024x1xf32>
    %max3A_221 = arith.maximumf %max3A, %mul3A_219 : vector<1024x1xf32>
    %min3A = vector.broadcast %jit3A_220 : f32 to vector<1024x1xf32>
    %min3A_222 = arith.minimumf %min3A, %max3A_221 : vector<1024x1xf32>
    %swap3A_223 = arith.constant 0 : index
    %swap3A_224 = arith.constant 0 : index
    %swap3A_225 = vector.load %arg9[%swap3A_223, %swap3A_224] : memref<1024x1xf32, #tpu.memory_space<vmem>>, vector<1024x1xf32>
    tpu.vector_store %arg9[%swap3A_223, %swap3A_224], %min3A_222 {strides = array<i32>} : memref<1024x1xf32, #tpu.memory_space<vmem>>, vector<1024x1xf32>,
    %slice3A_226 = vector.extract_strided_slice %add3A_204 {offsets = [1023, 0], sizes = [1, 1], strides = [1, 1]} : vector<1024x1xf32> to vector<1x1xf32>
    %swap3A_227 = arith.constant 0 : index
    %swap3A_228 = arith.constant 0 : index
    %swap3A_229 = vector.load %arg11[%swap3A_227, %swap3A_228] : memref<8x1xf32, #tpu.memory_space<vmem>>, vector<1x1xf32>
    tpu.vector_store %arg11[%swap3A_227, %swap3A_228], %slice3A_226 {strides = array<i32>} : memref<8x1xf32, #tpu.memory_space<vmem>>, vector<1x1xf32>,
    return
  }
  func.func @transform_0(%arg0: i32) -> (i32, i32) {
    %c0_i32 = arith.constant 0 : i32
    %c0_i32_0 = arith.constant 0 : i32
    return %arg0, %c0_i32 : i32, i32
  }
  func.func @transform_1(%arg0: i32) -> (i32, i32) {
    %c1_i32 = arith.constant 1 : i32
    %c0_i32 = arith.constant 0 : i32
    return %arg0, %c1_i32 : i32, i32
  }
  func.func @transform_2(%arg0: i32) -> (i32, i32) {
    %c2_i32 = arith.constant 2 : i32
    %c0_i32 = arith.constant 0 : i32
    return %arg0, %c2_i32 : i32, i32
  }
  func.func @transform_3(%arg0: i32) -> (i32, i32) {
    %c3_i32 = arith.constant 3 : i32
    %c0_i32 = arith.constant 0 : i32
    return %arg0, %c3_i32 : i32, i32
  }
  func.func @transform_4(%arg0: i32) -> (i32, i32) {
    %c4_i32 = arith.constant 4 : i32
    %c0_i32 = arith.constant 0 : i32
    return %arg0, %c4_i32 : i32, i32
  }
  func.func @transform_5(%arg0: i32) -> (i32, i32) {
    %c5_i32 = arith.constant 5 : i32
    %c0_i32 = arith.constant 0 : i32
    return %arg0, %c5_i32 : i32, i32
  }
  func.func @transform_6(%arg0: i32) -> (i32, i32) {
    %c6_i32 = arith.constant 6 : i32
    %c0_i32 = arith.constant 0 : i32
    return %arg0, %c6_i32 : i32, i32
  }
  func.func @transform_7(%arg0: i32) -> (i32, i32) {
    %c7_i32 = arith.constant 7 : i32
    %c0_i32 = arith.constant 0 : i32
    return %arg0, %c7_i32 : i32, i32
  }
  func.func @transform_8(%arg0: i32) -> (i32, i32) {
    %c0_i32 = arith.constant 0 : i32
    %c0_i32_0 = arith.constant 0 : i32
    return %arg0, %c0_i32 : i32, i32
  }
}

</mosaic_0001>

<sc_bundles>
// kernel: kernel.4.cloned.1.call-start
scs
__scs_entry_jumppad:
0x0: {  	(pc) =	sbr.rel $0x88, $3  }
0x1: {  	(tag) =	ssettag $0x0;
	lr =	simm.s32 $0x1  }
0x2: {  	[smem:$0x3F9F] =	sst lr;
	_ =	strace $0xD0000000  }
0x3: {  	_ = 	snop  }
0x4: {  	_ = 	snop  }
0x5: {  	_ = 	snop  }
0x6: {  	_ = 	snop  }
0x7: {  	_ = 	snop  }
__scs_overlays_trampoline_lowered:
0x8: {  	[smem:$0x3FAE] =	sst s0  }
0x9: {  	[smem:$0x3FAF] =	sst s1  }
0xa: {  	[smem:$0x3FB0] =	sst s2  }
0xb: {  	[smem:$0x3FB1] =	sst s3  }
0xc: {  	[smem:$0x3FB2] =	sst s4  }
0xd: {  	[smem:$0x3FB3] =	sst s5  }
0xe: {  	[smem:$0x3FB4] =	sst s6  }
0xf: {  	[smem:$0x3FB5] =	sst s7  }
0x10: {  	[smem:$0x3FB6] =	sst s8  }
0x11: {  	[smem:$0x3FB7] =	sst s9;
	s0 =	simm.s32 @!p0 $0x0  }
0x12: {  	s1 =	sld [smem:$0x3F9D];
	s0 =	simm.s32 @p0 $0x1  }
0x13: {  	[smem:$0x3FB8] =	sst s0;
	s0 =	simm.s32 @!p1 $0x0  }
0x14: {  	s2 =	sld [smem:$0x3F9C];
	s0 =	simm.s32 @p1 $0x1  }
0x15: {  	[smem:$0x3FB9] =	sst s0;
	s0 =	simm.s32 @!p2 $0x0  }
0x16: {  	s3 =	sld [smem:$0x3FDB];
	s0 =	simm.s32 @p2 $0x1  }
0x17: {  	s4 =	simm.s32 $0x1BF5;
	[smem:$0x3FBB] =	sst s0  }
0x18: {  	s0 =	sld [smem:$0x3F9E];
	_ =	swait.ge [sflag:s4], $0x0  }
0x19: {  	s7 =	sld [smem:$0x3F9F]  }
0x1a: {  	s8 =	sadd.s32 $0xFFFFE003, lr  }
0x1b: {  	s9 =	sadd.s32 $0xFFFFFEF7, lr;
	s5 =	simm.s32 $0xFFFFFFFF;
	p2 =	slt.u32 s8, $0xFFFFF086  }
0x1c: {  	p1 =	slt.u32 s9, $0xF7A;
	s5 =	simm.s32 @!p2 $0x0  }
0x1d: {  	s5 =	simm.s32 @p1 $0x1;
	p0 =	seq.s32 s7, s2  }
0x1e: {  	s7 =	smul.u32 @!p0 $0xF7A, s2;
	p2 =	seq.s32 @!p0 s5, $0x0  }
0x1f: {  	s9 =	smul.u32 $0xF7A, s1;
	s8 =	simm.s32 @!p0 $0x1BF5;
	p2 =	por !p2, p0  }
0x20: {  	[sflag:s8] =	ssyncset.s32 @!p0 $0xFFFFF086;
	s6 =	sadd.s32 @!p0 s3, s7;
	s7 =	simm.s32 @!p0 $0x108  }
0x21: {  	s3 =	sadd.s32 s3, s9;
	s6 =	sadd.s32 @!p0 $0x88, s6;
	s7 =	simm.s32 @p2 $0x1082  }
0x22: {  	[simem:s7], [sflag:s8] =	dma.local @!p0 [hbm:s6], $0xF7A  }
0x23: {  	s9 =	sor.u32 $0xD0000000, s2;
	s6 =	simm.s32 $0x108;
	_ =	swait.ge @!p0 [sflag:s8], $0x0  }
0x24: {  	s3 =	sadd.s32 $0x88, s3;
	s6 =	simm.s32 @!p1 $0x1082;
	[sflag:s4] =	ssyncset.s32 $0xFFFFF086  }
0x25: {  	[simem:s6], [sflag:s4] =	dma.local [hbm:s3], $0xF7A  }
0x26: {  	[smem:$0x3F9F] =	sst s1;
	(tag) =	ssettag s2;
	_ =	strace s9  }
0x27: {  	s1 =	sld [smem:$0x3FAF]  }
0x28: {  	s2 =	sld [smem:$0x3FB0]  }
0x29: {  	s4 =	sld [smem:$0x3FB2]  }
0x2a: {  	p0 =	seq.s32 s5, $0x0;
	s5 =	sld [smem:$0x3FB3]  }
0x2b: {  	s6 =	sld [smem:$0x3FB4]  }
0x2c: {  	s7 =	sld [smem:$0x3FB5]  }
0x2d: {  	s3 =	simm.s32 $0x108;
	s8 =	sld [smem:$0x3FB6]  }
0x2e: {  	s3 =	simm.s32 @!p0 $0x1082;
	s9 =	sld [smem:$0x3FB7]  }
0x2f: {  	lr =	sadd.s32 s0, s3;
	s0 =	sld [smem:$0x3FAE]  }
0x30: {  	s3 =	sld [smem:$0x3FB1]  }
0x31: {  	[smem:$0x3FBA] =	sst s10  }
0x32: {  	s10 =	sld [smem:$0x3FB8];
	_ =	sdelay $0x3  }
0x33: {  	p0 =	seq.s32 s10, $0x1;
	s10 =	sld [smem:$0x3FBA];
	_ =	sdelay $0x3  }
0x34: {  	[smem:$0x3FBA] =	sst s10  }
0x35: {  	s10 =	sld [smem:$0x3FB9];
	_ =	sdelay $0x3  }
0x36: {  	p1 =	seq.s32 s10, $0x1;
	s10 =	sld [smem:$0x3FBA];
	_ =	sdelay $0x3  }
0x37: {  	[smem:$0x3FBA] =	sst s10  }
0x38: {  	s10 =	sld [smem:$0x3FBB]  }
0x39: {  	_ = 	snop;
	(pc) =	sbr.ind lr, $3  }
0x3a: {  	_ = 	snop  }
0x3b: {  	_ = 	snop  }
0x3c: {  	p2 =	seq.s32 s10, $0x1;
	s10 =	sld [smem:$0x3FBA]  }
0x3d: {  	_ =	shalt  }
0x3e: {  	_ =	shalt  }
0x3f: {  	_ =	shalt  }
0x40: {  	_ =	shalt  }
0x41: {  	_ =	shalt  }
0x42: {  	_ =	shalt  }
0x43: {  	_ =	shalt  }
0x44: {  	_ =	shalt  }
0x45: {  	_ =	shalt  }
0x46: {  	_ =	shalt  }
0x47: {  	_ =	shalt  }
0x48: {  	_ =	shalt  }
0x49: {  	_ =	shalt  }
0x4a: {  	_ =	shalt  }
0x4b: {  	_ =	shalt  }
0x4c: {  	_ =	shalt  }
0x4d: {  	_ =	shalt  }
0x4e: {  	_ =	shalt  }
0x4f: {  	_ =	shalt  }
0x50: {  	_ =	shalt  }
0x51: {  	_ =	shalt  }
0x52: {  	_ =	shalt  }
0x53: {  	_ =	shalt  }
0x54: {  	_ =	shalt  }
0x55: {  	_ =	shalt  }
0x56: {  	_ =	shalt  }
0x57: {  	_ =	shalt  }
0x58: {  	_ =	shalt  }
0x59: {  	_ =	shalt  }
0x5a: {  	_ =	shalt  }
0x5b: {  	_ =	shalt  }
0x5c: {  	_ =	shalt  }
0x5d: {  	_ =	shalt  }
0x5e: {  	_ =	shalt  }
0x5f: {  	_ =	shalt  }
0x60: {  	_ =	shalt  }
0x61: {  	_ =	shalt  }
0x62: {  	_ =	shalt  }
0x63: {  	_ =	shalt  }
0x64: {  	_ =	shalt  }
0x65: {  	_ =	shalt  }
0x66: {  	_ =	shalt  }
0x67: {  	_ =	shalt  }
0x68: {  	_ =	shalt  }
0x69: {  	_ =	shalt  }
0x6a: {  	_ =	shalt  }
0x6b: {  	_ =	shalt  }
0x6c: {  	_ =	shalt  }
0x6d: {  	_ =	shalt  }
0x6e: {  	_ =	shalt  }
0x6f: {  	_ =	shalt  }
0x70: {  	_ =	shalt  }
0x71: {  	_ =	shalt  }
0x72: {  	_ =	shalt  }
0x73: {  	_ =	shalt  }
0x74: {  	_ =	shalt  }
0x75: {  	_ =	shalt  }
0x76: {  	_ =	shalt  }
0x77: {  	_ =	shalt  }
0x78: {  	_ =	shalt  }
0x79: {  	_ =	shalt  }
0x7a: {  	_ =	shalt  }
0x7b: {  	_ =	shalt  }
0x7c: {  	_ =	shalt  }
0x7d: {  	_ =	shalt  }
0x7e: {  	_ =	shalt  }
0x7f: {  	_ =	shalt  }
0x80: {  	_ =	shalt  }
0x81: {  	_ =	shalt  }
0x82: {  	_ =	shalt  }
0x83: {  	_ =	shalt  }
0x84: {  	_ =	shalt  }
0x85: {  	_ =	shalt  }
0x86: {  	_ =	shalt  }
0x87: {  	_ =	shalt  }
.Lfunc_end0:
.L_simem_size_0:
called_computation_lowered:
.L_overlay_start_0:
0x88: {  	s0 =	sld [smem:$0x3FD9]  }
0x89: {  	s1 =	sld [smem:$0x3FFE];
	_ =	sdelay $0x3  }
0x8a: {  	s0 =	sadd.s32 s1, s0  }
0x8b: {  	[smem:$0x3FC6] =	sst s0  }
0x8c: {  	_ = 	snop  }
0x8d: {  	s0 =	sld [smem:$0x3FD0];
	_ =	sdelay $0x2  }
0x8e: {  	s2 =	simm.s32 $0xA;
	s3 =	simm.s32 $0x10;
	s13 =	sld [smem:$0x3FC8]  }
0x8f: {  	[smem:s3], [sflag:s2] =	dma.local [hbm:s0], $0x1  }
0x90: {  	_ =	swait.eq [sflag:s2], $0x1  }
0x91: {  	s14 =	sld [smem:$0x10]  }
0x92: {  	s15 =	sld [smem:$0x11];
	[sflag:s2] =	ssyncset.done $0x0  }
0x93: {  	s4 =	sld [smem:$0x12];
	[sflag:s2] =	ssyncadd.s32 $0xFFFFFFFF  }
0x94: {  	s16 =	sld [smem:$0x13];
	(tm) =	ssettm $0x1  }
0x95: {  	s5 =	sld [smem:$0x3FFB];
	_ =	sdelay $0x3  }
0x96: {  	_ =	strace s5  }
0x97: {  	s5 =	sld [smem:$0x3FFC];
	_ =	sdelay $0x3  }
0x98: {  	_ =	strace s5  }
0x99: {  	s5 =	sld [smem:$0x3FFD];
	_ =	sdelay $0x3  }
0x9a: {  	_ =	strace s5  }
0x9b: {  	_ =	strace $0x8FFFFFFF  }
0x9c: {  	s17 =	sld [smem:$0x3FDB];
	_ =	sdelay $0x1  }
0x9d: {  	s6 =	simm.s32 $_scs_section_size  }
0x9e: {  	s7 =	simm.s32 $_size__tile_overlayer_lowered;
	s8 =	simm.s32 $_tile_overlayer_lowered  }
0x9f: {  	s20 =	simm.s32 $0x1BFF;
	s19 =	sshll.u32 s8, $0x1;
	s5 =	sadd.s32 s6, s17  }
0xa0: {  	s9 =	simm.s32 $0x0;
	s18 =	sshll.u32 s7, $0x1;
	s7 =	sadd.s32 s19, s5  }
0xa1: {  	[timem:s9], [sflag:s20] =	dma.local [hbm:s7], s18  }
0xa2: {  	_ =	swait.ge [sflag:s20], s18  }
0xa3: {  	s6 =	ssub.s32 $0x0, s18;
	[sflag:s20] =	ssyncset.done $0x0  }
0xa4: {  	[sflag:s20] =	ssyncadd.s32 s6;
	_ =	sdelay $0x1  }
0xa5: {  	s21 =	simm.s32 $0x1B8B  }
0xa6: {  	_ =	swait.ge [sflag:s21], $0x1  }
0xa7: {  	[sflag:s21] =	ssyncset.done $0x0  }
0xa8: {  	s23 =	simm.s32 $0x1B8E;
	s22 =	sld [smem:$0x3FFE];
	[sflag:s21] =	ssyncadd.s32 $0xFFFFFFFF  }
0xa9: {  	s24 =	simm.s32 $execute0_lowered;
	[smem:$0x3FD2] =	sst s23  }
0xaa: {  	s7 =	sshll.u32 s24, $0x1;
	_ =	strace $0x80000046;
	[dreg:$0x1] =	wrdreg $0xFFFFFFFF  }
0xab: {  	s25 =	simm.s32 $_size_execute0_lowered;
	s5 =	sadd.s32 s5, s7;
	[dreg:$0x0] =	wrdreg $0x0  }
0xac: {  	s7 =	sshll.u32 s25, $0x1;
	[dreg:$0x2] =	wrdreg s5  }
0xad: {  	[dreg:$0x3] =	wrdreg s7  }
0xae: {  	[dreg:$0x4] =	wrdreg $0xC0  }
0xaf: {  	_ =	task [dreg:s9], $0x5FFFF  }
0xb0: {  	[dreg:$0x1] =	wrdreg $0xFFFFFFFF  }
0xb1: {  	[dreg:$0x0] =	wrdreg $0x60  }
0xb2: {  	[dreg:$0x2] =	wrdreg s14  }
0xb3: {  	[dreg:$0x3] =	wrdreg s13  }
0xb4: {  	[dreg:$0x4] =	wrdreg s22  }
0xb5: {  	[dreg:$0x5] =	wrdreg s15  }
0xb6: {  	[dreg:$0x6] =	wrdreg s4  }
0xb7: {  	[dreg:$0x7] =	wrdreg s16  }
0xb8: {  	[dreg:$0x8] =	wrdreg $0x9  }
0xb9: {  	_ =	task.clear_ibuf [dreg:s9], $0x9FFFF;
	_ =	strace $0x90000046  }
0xba: {  	s26 =	simm.s32 $0x9;
	_ =	strace $0x80000048  }
0xbb: {  	_ =	swait.ge [sflag:s26], $0x1  }
0xbc: {  	[sflag:s26] =	ssyncadd.s32 $0xFFFFFFFF  }
0xbd: {  	_ =	strace $0x90000048  }
0xbe: {  	_ =	sfence  }
0xbf: {  	s28 =	sld [smem:$0x0];
	_ =	sdelay $0x1  }
0xc0: {  	s29 =	srdreg.scid  }
0xc1: {  	s30 =	sshll.u32 s29, $0xD;
	s31 =	sshrl.u32 s29, $0x2  }
0xc2: {  	s1 =	sand.u32 $0x1, s29;
	s2 =	sand.u32 $0x4000, s30;
	s0 =	sadd.s32 s31, s28  }
0xc3: {  	s1 =	sor.u32 s2, s1;
	s0 =	sshll.u32 s0, $0x11  }
0xc4: {  	s0 =	sor.u32 s0, s1  }
0xc5: {  	s0 =	sadd.s32 $0x8F2B, s0  }
0xc6: {  	[sflag:s0] =	ssyncadd.remote.s32 $0x1  }
0xc7: {  	_ =	sfence.sel $0xFFFF  }
0xc8: {  	[dreg:$0x0] =	wrdreg $0xFFFFFFFF;
	(pc) =	sbr.abs _section_cstart, $3  }
0xc9: {  	[dreg:$0x1] =	wrdreg $0xFFFFFFFF  }
0xca: {  	_ =	task.clear_ibuf [dreg:s9], $0x2FFFF;
	_ =	strace $0x9FFFFFFF  }
0xcb: {  	(tm) =	ssettm $0x7FFFFFFF  }
tec
execute0_lowered:
.L_overlay_start_1:
0x0: {  	(tag) =	ssettag $0x1  }
0x1: {  	s3 =	rddreg [dreg:$0x0]  }
0x2: {  	s4 =	rddreg [dreg:$0x1]  }
0x3: {  	s8 =	rddreg [dreg:$0x2]  }
0x4: {  	s6 =	rddreg [dreg:$0x3]  }
0x5: {  	s7 =	rddreg [dreg:$0x4]  }
0x6: {  	s1 =	rddreg [dreg:$0x5]  }
0x7: {  	s0 =	rddreg [dreg:$0x6];
	s2 =	simm.s32 $0x0;
	s10 =	stileid.u32  }
0x8: {  	[smem:$0x7FF] =	sst s2;
	s9 =	sshll.u32 s10, $0x8  }
0x9: {  	s26 =	simm.s32 $0x2;
	_ =	strace $0x80000047;
	s3 =	sadd.s32 s3, s9  }
0xa: {  	[tilespmem:s2], [sflag:$0x2] =	stream.linear.gather [hbm4b:s3+s2], $0x800, $0x38;
	[tilespmem:$0x2900] =	vst v63  }
0xb: {  	_ =	swait.ge [sflag:s26], $0x800  }
0xc: {  	[sflag:s26] =	ssyncset.done $0x0  }
0xd: {  	s5 =	simm.s32 $0x800;
	[sflag:s26] =	ssyncadd.s32 $0xFFFFF800  }
0xe: {  	[tilespmem:s5], [sflag:$0x2] =	stream.linear.gather [hbm4b:s4+s2], $0x80, $0x38;
	[tilespmem:$0x2900] =	vst v63  }
0xf: {  	_ =	swait.ge [sflag:s26], $0x80  }
0x10: {  	[sflag:s26] =	ssyncset.done $0x0  }
0x11: {  	[sflag:s26] =	ssyncadd.s32 $0xFFFFFF80  }
0x12: {  	v0 =	vld [tilespmem:$0x800];
	_ =	sdelay $0x4  }
0x13: {  	(xrf0) =	vadd.scan.msk.s32 $0xffff, v0;
	_ =	sdelay $0x5  }
0x14: {  	s28 =	sshll.u32 s10, $0xB;
	v1, _, _ =	vpop (xrf0)  }
0x15: {  	v2 =	vmov s28;
	v0 =	vsub.s32 v1, v0  }
0x16: {  	s29 =	sadd.s32 $0x800, s28;
	v1 =	vsub.s32 v0, v2  }
0x17: {  	vm0 =	vge.s32 v0, s28;
	vm1 =	vlt.s32 v0, s29;
	vm2 =	vgt.s32 v1, $0x0  }
0x18: {  	vm0 =	vmand vm0, vm1;
	v0 =	vnsel vm2, $0x0, v1  }
0x19: {  	v0 =	vmin.u32 v0, $0x7FF;
	_ =	sdelay $0x2  }
0x1a: {  	p0 =	sne.s32 s10, $0x0  }
0x1b: {  	s3 =	simm.s32 @!p0 $0x0;
	v1 =	vimm.f32 $1.000000000e+00  }
0x1c: {  	[smem:$0x0] =	sst @!p0 s3;
	[tilespmem:v0+s2+$0x0] =	vst.idx.msk vm0, v1  }
0x1d: {  	s3 =	simm.s32 $0x20;
	[bflag:$0x0] =	sbarrier.arrive $0xFFFF  }
0x1e: {  	v2 =	vld [tilespmem:s3+$0xFFFFFFE0]  }
0x1f: {  	v0 =	vlaneseq.u32  }
0x20: {  	v1 =	vmov s2;
	v0 =	vmul.u32 $0x2, v0  }
0x21: {  	v3 =	vshll.u32 v1, $0x1  }
0x22: {  	v1 =	vimm.s32 $0x0;
	v3 =	vor.u32 v0, v3  }
0x23: {  	v4 =	vor.u32 $0x1, v3;
	v5 =	vsub.f32 $1.000000000e+00, v2;
	vm12 =	vgt.f32 v2, $5.000000000e-01  }
0x24: {  	s11 =	simm.s32 $0x8A0;
	v6 =	vsel vm12, $0x1, v1  }
0x25: {  	s5 =	simm.s32 $0x20A0;
	[tilespmem:s11+$0xFFFFFFE0] =	vst v6;
	v7 =	vmax.f32 v2, v5  }
0x26: {  	s4 =	simm.s32 $0x1080;
	[tilespmem:s5+$0xFFFFFFE0] =	vst v7  }
0x27: {  	[tilespmem:v3+s4+$0x0] =	vst.idx.msk $0xffff, v5  }
0x28: {  	[tilespmem:v4+s4+$0x0] =	vst.idx.msk $0xffff, v2  }
0x29: {  	v2 =	vld [tilespmem:s3+$0xFFFFFFF0]  }
0x2a: {  	s12 =	simm.s32 $0x10  }
0x2b: {  	v3 =	vmov s12  }
0x2c: {  	v3 =	vshll.u32 v3, $0x1  }
0x2d: {  	v3 =	vor.u32 v0, v3  }
0x2e: {  	v4 =	vor.u32 $0x1, v3;
	v5 =	vsub.f32 $1.000000000e+00, v2;
	vm13 =	vgt.f32 v2, $5.000000000e-01  }
0x2f: {  	v7 =	vsel vm13, $0x1, v1  }
0x30: {  	[tilespmem:s11+$0xFFFFFFF0] =	vst v7;
	v8 =	vmax.f32 v2, v5  }
0x31: {  	[tilespmem:s5+$0xFFFFFFF0] =	vst v8  }
0x32: {  	[tilespmem:v3+s4+$0x0] =	vst.idx.msk $0xffff, v5  }
0x33: {  	[tilespmem:v4+s4+$0x0] =	vst.idx.msk $0xffff, v2  }
0x34: {  	v2 =	vld [tilespmem:s3+$0x0]  }
0x35: {  	s30 =	simm.s32 $0x20  }
0x36: {  	v3 =	vmov s30  }
0x37: {  	v3 =	vshll.u32 v3, $0x1  }
0x38: {  	v3 =	vor.u32 v0, v3  }
0x39: {  	v4 =	vor.u32 $0x1, v3;
	v5 =	vsub.f32 $1.000000000e+00, v2;
	vm14 =	vgt.f32 v2, $5.000000000e-01  }
0x3a: {  	v8 =	vsel vm14, $0x1, v1  }
0x3b: {  	[tilespmem:s11+$0x0] =	vst v8;
	v9 =	vmax.f32 v2, v5  }
0x3c: {  	[tilespmem:s5+$0x0] =	vst v9  }
0x3d: {  	[tilespmem:v3+s4+$0x0] =	vst.idx.msk $0xffff, v5  }
0x3e: {  	[tilespmem:v4+s4+$0x0] =	vst.idx.msk $0xffff, v2  }
0x3f: {  	v3 =	vld [tilespmem:s3+$0x10]  }
0x40: {  	s31 =	simm.s32 $0x30  }
0x41: {  	v2 =	vmov s31;
	v4 =	vadd.s32 v6, v1  }
0x42: {  	v2 =	vshll.u32 v2, $0x1;
	v6 =	vadd.s32 v7, v4  }
0x43: {  	v4 =	vor.u32 v0, v2;
	v2 =	vadd.s32 v8, v6  }
0x44: {  	s10 =	sshll.u32 s10, $0x9;
	s8 =	sadd.s32 s9, s8;
	v6 =	vor.u32 $0x1, v4;
	v5 =	vsub.f32 $1.000000000e+00, v3;
	vm15 =	vgt.f32 v3, $5.000000000e-01  }
0x45: {  	s7 =	sadd.s32 s7, s9;
	s6 =	sadd.s32 s6, s10;
	s9 =	simm.s32 $0x0;
	v8 =	vsel vm15, $0x1, v1  }
0x46: {  	s10 =	simm.s32 $0x8E0;
	s8 =	sadd.s32 $0x400, s8;
	[tilespmem:s11+$0x10] =	vst v8;
	v7 =	vmax.f32 v3, v5;
	v2 =	vadd.s32 v8, v2;
	s11 =	simm.s32 $0x20E0  }
.LBB2_1:
0x47: {  	s9 =	sadd.s32 $0x4, s9;
	[tilespmem:s5+$0x10] =	vst v7;
	s2 =	sadd.s32 $0x40, s2;
	s3 =	sadd.s32 $0x40, s3  }
0x48: {  	s5 =	smov.u32 s11;
	p1 =	slt.u32 s9, $0x7C;
	[tilespmem:v4+s4+$0x0] =	vst.idx.msk $0xffff, v5  }
0x49: {  	[tilespmem:v6+s4+$0x0] =	vst.idx.msk $0xffff, v3  }
0x4a: {  	v4 =	vmov s2;
	v3 =	vld [tilespmem:s3+$0xFFFFFFE0]  }
0x4b: {  	v4 =	vshll.u32 v4, $0x1  }
0x4c: {  	v4 =	vor.u32 v0, v4  }
0x4d: {  	v5 =	vor.u32 $0x1, v4;
	_ =	sdelay $0x1  }
0x4e: {  	v6 =	vsub.f32 $1.000000000e+00, v3;
	vm0 =	vgt.f32 v3, $5.000000000e-01  }
0x4f: {  	v7 =	vsel vm0, $0x1, v1  }
0x50: {  	[tilespmem:s10+$0xFFFFFFE0] =	vst v7;
	v8 =	vmax.f32 v3, v6  }
0x51: {  	[tilespmem:s11+$0xFFFFFFE0] =	vst v8  }
0x52: {  	[tilespmem:v4+s4+$0x0] =	vst.idx.msk $0xffff, v6  }
0x53: {  	s12 =	sadd.s32 $0x10, s2;
	[tilespmem:v5+s4+$0x0] =	vst.idx.msk $0xffff, v3  }
0x54: {  	v4 =	vmov s12;
	v3 =	vld [tilespmem:s3+$0xFFFFFFF0]  }
0x55: {  	v4 =	vshll.u32 v4, $0x1  }
0x56: {  	v4 =	vor.u32 v0, v4  }
0x57: {  	v5 =	vor.u32 $0x1, v4;
	_ =	sdelay $0x1  }
0x58: {  	v6 =	vsub.f32 $1.000000000e+00, v3;
	vm0 =	vgt.f32 v3, $5.000000000e-01  }
0x59: {  	v8 =	vsel vm0, $0x1, v1  }
0x5a: {  	[tilespmem:s10+$0xFFFFFFF0] =	vst v8;
	v9 =	vmax.f32 v3, v6  }
0x5b: {  	[tilespmem:s11+$0xFFFFFFF0] =	vst v9  }
0x5c: {  	[tilespmem:v4+s4+$0x0] =	vst.idx.msk $0xffff, v6  }
0x5d: {  	s12 =	sadd.s32 $0x20, s2;
	[tilespmem:v5+s4+$0x0] =	vst.idx.msk $0xffff, v3  }
0x5e: {  	v4 =	vmov s12;
	v3 =	vld [tilespmem:s3+$0x0]  }
0x5f: {  	v4 =	vshll.u32 v4, $0x1  }
0x60: {  	v4 =	vor.u32 v0, v4  }
0x61: {  	v5 =	vor.u32 $0x1, v4;
	_ =	sdelay $0x1  }
0x62: {  	v6 =	vsub.f32 $1.000000000e+00, v3;
	vm0 =	vgt.f32 v3, $5.000000000e-01  }
0x63: {  	v9 =	vsel vm0, $0x1, v1  }
0x64: {  	[tilespmem:s10+$0x0] =	vst v9;
	v10 =	vmax.f32 v3, v6  }
0x65: {  	[tilespmem:s11+$0x0] =	vst v10  }
0x66: {  	[tilespmem:v4+s4+$0x0] =	vst.idx.msk $0xffff, v6  }
0x67: {  	s12 =	sadd.s32 $0x30, s2;
	[tilespmem:v5+s4+$0x0] =	vst.idx.msk $0xffff, v3  }
0x68: {  	v4 =	vmov s12;
	v3 =	vld [tilespmem:s3+$0x10]  }
0x69: {  	v4 =	vshll.u32 v4, $0x1  }
0x6a: {  	v2 =	vadd.s32 v7, v2;
	v4 =	vor.u32 v0, v4  }
.Ltmp0:
0x6b: {  	v2 =	vadd.s32 v8, v2;
	(pc) =	sbr.rel @p1 .LBB2_1-.Ltmp0, $4  }
0x6c: {  	v2 =	vadd.s32 v9, v2;
	v6 =	vor.u32 $0x1, v4  }
0x6d: {  	v5 =	vsub.f32 $1.000000000e+00, v3;
	vm0 =	vgt.f32 v3, $5.000000000e-01  }
0x6e: {  	v8 =	vsel vm0, $0x1, v1  }
0x6f: {  	s11 =	sadd.s32 $0x40, s11;
	[tilespmem:s10+$0x10] =	vst v8;
	v7 =	vmax.f32 v3, v5;
	v2 =	vadd.s32 v8, v2;
	s10 =	sadd.s32 $0x40, s10  }
0x70: {  	(xrf0) =	vadd.scan.msk.s32 $0xffff, v2;
	_ =	sdelay $0x5  }
0x71: {  	v0, _, _ =	vpop (xrf0)  }
0x72: {  	(v2sf) =	vpush v0, $0xF;
	_ =	sdelay $0xc  }
0x73: {  	[tilespmem:s5+$0x10] =	vst v7  }
0x74: {  	s2 =	simm.s32 $0x1;
	[tilespmem:v4+s4+$0x0] =	vst.idx.msk $0xffff, v5  }
0x75: {  	s26 =	simm.s32 $0x0;
	[tilespmem:v6+s4+$0x0] =	vst.idx.msk $0xffff, v3;
	[sflag:s2] =	ssyncset.done $0x0;
	s3 =	spop (v2sf)  }
0x76: {  	[smem:s26], [sflag:$0x1] =	smem.add.s32 s3  }
0x77: {  	_ =	swait.done [sflag:s2]  }
0x78: {  	[sflag:s2] =	ssyncset.s32 $0x0  }
0x79: {  	[sflag:s2] =	ssyncset.done $0x0  }
0x7a: {  	s28 =	simm.s32 $0x880;
	s29 =	simm.s32 $0x2;
	[bflag:$0x0] =	sbarrier.arrive $0xFFFF  }
0x7b: {  	[hbm4b:s8+s26] =	stream.linear.scatter [tilespmem:s28], [sflag:$0x2], $0x800, $0x38;
	[tilespmem:$0x2900] =	vst v63  }
0x7c: {  	_ =	swait.ge [sflag:s29], $0x800  }
0x7d: {  	[sflag:s29] =	ssyncset.done $0x0  }
0x7e: {  	s30 =	simm.s32 $0x2080;
	[sflag:s29] =	ssyncadd.s32 $0xFFFFF800  }
0x7f: {  	[hbm4b:s7+s26] =	stream.linear.scatter [tilespmem:s30], [sflag:$0x2], $0x800, $0x38;
	[tilespmem:$0x2900] =	vst v63  }
0x80: {  	_ =	swait.ge [sflag:s29], $0x800  }
0x81: {  	[sflag:s29] =	ssyncset.done $0x0  }
0x82: {  	s31 =	simm.s32 $0x1080;
	[sflag:s29] =	ssyncadd.s32 $0xFFFFF800  }
0x83: {  	[hbm4b:s6+s26] =	stream.linear.scatter [tilespmem:s31], [sflag:$0x2], $0x1000, $0x38;
	[tilespmem:$0x2900] =	vst v63  }
0x84: {  	_ =	swait.ge [sflag:s29], $0x1000  }
0x85: {  	[sflag:s29] =	ssyncset.done $0x0  }
0x86: {  	[sflag:s29] =	ssyncadd.s32 $0xFFFFF000  }
0x87: {  	_ =	sfence.sel @p0 $0x180000  }
0x88: {  	[bflag:$0x0] =	sbarrier.arrive @p0 $0xFFFF  }
0x89: {  	_ =	strace @p0 $0x90000047  }
0x8a: {  	[bflag:$0x2] =	sbarrier.arrive @p0 $0xFFFF  }
0x8b: {  	s2 =	sld @!p0 [smem:$0x0];
	_ =	sdelay $0x2  }
0x8c: {  	vm0 =	vcmask @!p0 $0x704;
	v0 =	vmov @!p0 s2  }
0x8d: {  	v0 =	vnsel @!p0 vm0, $0x0, v0  }
0x8e: {  	s3 =	simm.s32 @!p0 $0x2880;
	s2 =	simm.s32 @!p0 $0x0;
	[tilespmem:$0x2880] =	vst @!p0 v0  }
0x8f: {  	[hbm4b:s1+s2] =	stream.linear.scatter @!p0 [tilespmem:s3], [sflag:$0x2], $0x80, $0x38;
	[tilespmem:$0x2900] =	vst v63  }
0x90: {  	s1 =	simm.s32 @!p0 $0x2  }
0x91: {  	_ =	swait.ge @!p0 [sflag:s1], $0x80  }
0x92: {  	[sflag:s1] =	ssyncset.done @!p0 $0x0  }
0x93: {  	[sflag:s1] =	ssyncadd.s32 @!p0 $0xFFFFFF80  }
0x94: {  	_ =	sfence.sel @!p0 $0x180000  }
0x95: {  	[bflag:$0x0] =	sbarrier.arrive @!p0 $0xFFFF  }
0x96: {  	_ =	strace @!p0 $0x90000047  }
0x97: {  	s0 =	sadd.s32 @!p0 $0x100000, s0;
	[bflag:$0x2] =	sbarrier.arrive @!p0 $0xFFFF  }
0x98: {  	[sflag:s0] =	ssyncadd.tile.s32 @!p0 $0x1;
	_ =	shalt  }
.Lfunc_end2:
_tile_overlayer_lowered:
.L_overlay_start_2:
0x99: {  	(tag) =	ssettag $0x2  }
0x9a: {  	s0 =	rddreg [dreg:$0x0];
	s2 =	stileid.u32  }
0x9b: {  	s1 =	rddreg [dreg:$0x1];
	p0 =	sne.s32 s2, $0x0  }
0x9c: {  	s3 =	rddreg [dreg:$0x2];
	[bflag:$0x3] =	sbarrier.arrive $0xFFFF;
	s2 =	simm.s32 @!p0 $0x1C01  }
0x9d: {  	[timem:s3], [sflag:s2] =	dma.local @!p0 [hbm:s0], s1  }
0x9e: {  	s0 =	simm.s32 @!p0 $0x1  }
0x9f: {  	_ =	swait.ge @!p0 [sflag:s0], s1  }
0xa0: {  	s1 =	ssub.s32 @!p0 $0x0, s1;
	[sflag:s0] =	ssyncset.done @!p0 $0x0  }
0xa1: {  	[sflag:s0] =	ssyncadd.s32 @!p0 s1  }
0xa2: {  	[bflag:$0x3] =	sbarrier.arrive $0xFFFF  }
0xa3: {  	_ =	shalt  }

</sc_bundles>
